<compile_context>
chip_gen: v7x
topology: tpu7x:2x2x1
jax: 0.10.2.dev20260603
libtpu: 0.0.44.dev20260713+nightly
codegen_flags: <defaults>
</compile_context>

<pallas_src>
import functools

import jax
import jax.numpy as jnp
from jax import lax
from jax.experimental import pallas as pl
from jax.experimental.pallas import tpu as pltpu
from jax.experimental.pallas import tpu_sc as plsc

NUM_FIELDS = 26
VOCAB = 100000
EMBED = 32
BATCH = 4096
SCAL_DIM = 13
OUT_DIM = SCAL_DIM + NUM_FIELDS * EMBED
NC, NS = 2, 16
NW = NC * NS
LANES = 16
UNROLL = 8


def _lookup_t(tab_t, cat_t, scal_t):
    mesh = plsc.VectorSubcoreMesh(core_axis_name="c", subcore_axis_name="s")

    @functools.partial(
        pl.kernel,
        mesh=mesh,
        compiler_params=pltpu.CompilerParams(needs_layout_passes=False),
        out_type=jax.ShapeDtypeStruct((OUT_DIM, BATCH), jnp.float32),
        scratch_types=[
            pltpu.VMEM((BATCH,), jnp.int32),
            pltpu.VMEM((BATCH,), jnp.int32),
            pltpu.VMEM((VOCAB,), jnp.float32),
            pltpu.VMEM((BATCH,), jnp.float32),
            pltpu.VMEM((BATCH,), jnp.float32),
            pltpu.SemaphoreType.DMA,
            pltpu.SemaphoreType.DMA,
            pltpu.SemaphoreType.DMA,
            pltpu.SemaphoreType.DMA,
        ],
    )
    def lookup_k(tab_hbm, idx_hbm, scal_hbm, out_hbm,
                 idx_v0, idx_v1, row_v, out_v0, out_v1,
                 sem_idx0, sem_idx1, sem_out0, sem_out1):
        wid = lax.axis_index("s") * NC + lax.axis_index("c")

        @pl.when(wid < SCAL_DIM)
        def _():
            pltpu.sync_copy(scal_hbm.at[wid], out_v0)
            pltpu.sync_copy(out_v0, out_hbm.at[wid])

        pltpu.async_copy(idx_hbm.at[0], idx_v0, sem_idx0).wait()
        pltpu.async_copy(idx_hbm.at[1], idx_v1, sem_idx1)

        def do_field(f, t, par, idx_s, out_s, sem_idx, sem_out):
            pltpu.sync_copy(tab_hbm.at[f, wid], row_v)

            @pl.when(t + par >= 1)
            def _():
                pltpu.make_async_copy(idx_hbm.at[f], idx_s, sem_idx).wait()

            @pl.when(t >= 1)
            def _():
                pltpu.make_async_copy(
                    out_s, out_hbm.at[SCAL_DIM + EMBED * (f - 2) + wid], sem_out
                ).wait()

            @pl.loop(0, BATCH // (LANES * UNROLL))
            def _(k):
                for j in range(UNROLL):
                    o = (k * UNROLL + j) * LANES
                    iv = idx_s[pl.ds(o, LANES)]
                    out_s[pl.ds(o, LANES)] = plsc.load_gather(row_v, [iv])

            pltpu.async_copy(
                out_s, out_hbm.at[SCAL_DIM + EMBED * f + wid], sem_out
            )

            @pl.when(f + 2 < NUM_FIELDS)
            def _():
                pltpu.async_copy(idx_hbm.at[f + 2], idx_s, sem_idx)

        @pl.loop(0, NUM_FIELDS // 2)
        def _(t):
            do_field(2 * t, t, 0, idx_v0, out_v0, sem_idx0, sem_out0)
            do_field(2 * t + 1, t, 1, idx_v1, out_v1, sem_idx1, sem_out1)

        pltpu.make_async_copy(
            out_v0, out_hbm.at[SCAL_DIM + EMBED * (NUM_FIELDS - 2) + wid],
            sem_out0,
        ).wait()
        pltpu.make_async_copy(
            out_v1, out_hbm.at[SCAL_DIM + EMBED * (NUM_FIELDS - 1) + wid],
            sem_out1,
        ).wait()

    return lookup_k(tab_t, cat_t, scal_t)


def kernel(scal_feat, cat_feat, tables):
    tab_t = jnp.swapaxes(tables, 1, 2)
    cat_t = cat_feat.T
    scal_t = scal_feat.T
    out_t = _lookup_t(tab_t, cat_t, scal_t)
    return out_t.T

# --- scband reference (transcript-rebuilt; emitter-appended) ---
"""Pipeline reference for scband-cat-scal-embedding-22230750724683 (READ-ONLY COPY).

The authoritative reference and input builder live on the scoring server;
editing this copy changes nothing except your own understanding.
"""

import jax, jax.numpy as jnp
import numpy as np

NUM_FIELDS = 26
VOCAB = 100000
EMBED = 32
BATCH = 4096
SCAL_DIM = 13


def setup_inputs(seed: int = 0) -> dict:
    key = jax.random.key(seed)
    k1, k2, k3 = jax.random.split(key, 3)
    scal_feat = jax.random.normal(k1, (BATCH, SCAL_DIM), dtype=jnp.float32)
    cat_feat = jax.random.randint(k2, (BATCH, NUM_FIELDS), 0, VOCAB, dtype=jnp.int32)
    # 26 embedding tables, one per categorical field, stacked: [F, V, D]
    tables = jax.random.normal(k3, (NUM_FIELDS, VOCAB, EMBED), dtype=jnp.float32) * 0.02
    return {"scal_feat": scal_feat, "cat_feat": cat_feat, "tables": tables}


def reference(scal_feat, cat_feat, tables):
    # Faithful translation of CatScalEmbedding.forward:
    #   ret = [batch.scal_feat]
    #   for i, embed in enumerate(self.embeddings):
    #       ret.append(embed(batch.cat_feat[:, i]))
    #   return torch.cat(ret, -1)
    ret = [scal_feat]
    for i in range(NUM_FIELDS):
        ret.append(jnp.take(tables[i], cat_feat[:, i], axis=0))
    return jnp.concatenate(ret, axis=-1)

if __name__ == "__main__":
    import jax
    _d = setup_inputs()
    print(jax.jit(kernel)(*tuple(_d.values())))

</pallas_src>

<mosaic_0001>
#map = affine_map<(d0, d1) -> (0, 0, 0)>
#map1 = affine_map<(d0, d1) -> (0, 0)>
module attributes {stable_mosaic.version = 14 : i64} {
  func.func @lookup_k(%arg0: i32, %arg1: i32, %arg2: memref<26x32x100000xf32, #tpu.memory_space<hbm>>, %arg3: memref<26x4096xi32, #tpu.memory_space<hbm>>, %arg4: memref<13x4096xf32, #tpu.memory_space<hbm>>, %arg5: memref<845x4096xf32, #tpu.memory_space<hbm>>, %arg6: memref<4096xi32, #tpu.memory_space<vmem>>, %arg7: memref<4096xi32, #tpu.memory_space<vmem>>, %arg8: memref<100000xf32, #tpu.memory_space<vmem>>, %arg9: memref<4096xf32, #tpu.memory_space<vmem>>, %arg10: memref<4096xf32, #tpu.memory_space<vmem>>, %arg11: memref<!tpu.dma_semaphore, #tpu.memory_space<semaphore_mem>>, %arg12: memref<!tpu.dma_semaphore, #tpu.memory_space<semaphore_mem>>, %arg13: memref<!tpu.dma_semaphore, #tpu.memory_space<semaphore_mem>>, %arg14: memref<!tpu.dma_semaphore, #tpu.memory_space<semaphore_mem>>) attributes {dimension_semantics = [#tpu.dimension_semantics<core_parallel>, #tpu.dimension_semantics<subcore_parallel>], iteration_bounds = array<i64: 2, 16>, scalar_prefetch = 0 : i64, scratch_operands = 9 : i64, tpu.core_type = #tpu.core_type<sc_vector_subcore>, window_params = [{transform_indices = #map}, {transform_indices = #map1}, {transform_indices = #map1}, {transform_indices = #map1}]} {
    %mul3A = arith.constant 2 : i32
    %mul3A_0 = arith.muli %arg1, %mul3A : i32
    %add3A = arith.addi %mul3A_0, %arg0 : i32
    %lt3A = arith.constant 13 : i32
    %lt3A_1 = arith.cmpi slt, %add3A, %lt3A : i32
    %convert_element_type3A = arith.extui %lt3A_1 : i1 to i32
    %cond3A = arith.constant 0 : i32
    %cond3A_2 = arith.cmpi ne, %convert_element_type3A, %cond3A : i32
    scf.if %cond3A_2 {
      "tpu.region"() ({
        %run_scoped3A = tpu.sem_alloc : memref<!tpu.dma_semaphore, #tpu.memory_space<semaphore_mem>>
        %dma_start3A_42 = arith.constant 0 : i32
        %dma_start3A_43 = tpu.memref_slice %arg4[%add3A, %dma_start3A_42] : memref<13x4096xf32, #tpu.memory_space<hbm>> -> memref<1x4096xf32, #tpu.memory_space<hbm>>
        %dma_start3A_44 = tpu.memref_squeeze %dma_start3A_43 : memref<1x4096xf32, #tpu.memory_space<hbm>> -> memref<4096xf32, #tpu.memory_space<hbm>>
        %dma_start3A_45 = arith.constant 0 : i32
        %dma_start3A_46 = tpu.memref_slice %arg4[%add3A, %dma_start3A_45] : memref<13x4096xf32, #tpu.memory_space<hbm>> -> memref<1x4096xf32, #tpu.memory_space<hbm>>
        %dma_start3A_47 = tpu.memref_squeeze %dma_start3A_46 : memref<1x4096xf32, #tpu.memory_space<hbm>> -> memref<4096xf32, #tpu.memory_space<hbm>>
        tpu.enqueue_dma source(%dma_start3A_47 : memref<4096xf32, #tpu.memory_space<hbm>>) target(%arg9 : memref<4096xf32, #tpu.memory_space<vmem>>) target_semaphore(%run_scoped3A : memref<!tpu.dma_semaphore, #tpu.memory_space<semaphore_mem>>)
        %dma_wait3A_48 = arith.constant 0 : i32
        %dma_wait3A_49 = tpu.memref_slice %arg4[%add3A, %dma_wait3A_48] : memref<13x4096xf32, #tpu.memory_space<hbm>> -> memref<1x4096xf32, #tpu.memory_space<hbm>>
        %dma_wait3A_50 = tpu.memref_squeeze %dma_wait3A_49 : memref<1x4096xf32, #tpu.memory_space<hbm>> -> memref<4096xf32, #tpu.memory_space<hbm>>
        %dma_wait3A_51 = arith.constant 0 : i32
        %dma_wait3A_52 = tpu.memref_slice %arg4[%add3A, %dma_wait3A_51] : memref<13x4096xf32, #tpu.memory_space<hbm>> -> memref<1x4096xf32, #tpu.memory_space<hbm>>
        %dma_wait3A_53 = tpu.memref_squeeze %dma_wait3A_52 : memref<1x4096xf32, #tpu.memory_space<hbm>> -> memref<4096xf32, #tpu.memory_space<hbm>>
        tpu.wait_dma2 semaphore(%run_scoped3A : memref<!tpu.dma_semaphore, #tpu.memory_space<semaphore_mem>>) src(%dma_wait3A_53 : memref<4096xf32, #tpu.memory_space<hbm>>) dst(%arg9 : memref<4096xf32, #tpu.memory_space<vmem>>)
        tpu.yield
      }) : () -> ()
      "tpu.region"() ({
        %run_scoped3A = tpu.sem_alloc : memref<!tpu.dma_semaphore, #tpu.memory_space<semaphore_mem>>
        %dma_start3A_42 = arith.constant 0 : i32
        %dma_start3A_43 = tpu.memref_slice %arg5[%add3A, %dma_start3A_42] : memref<845x4096xf32, #tpu.memory_space<hbm>> -> memref<1x4096xf32, #tpu.memory_space<hbm>>
        %dma_start3A_44 = tpu.memref_squeeze %dma_start3A_43 : memref<1x4096xf32, #tpu.memory_space<hbm>> -> memref<4096xf32, #tpu.memory_space<hbm>>
        %dma_start3A_45 = arith.constant 0 : i32
        %dma_start3A_46 = tpu.memref_slice %arg5[%add3A, %dma_start3A_45] : memref<845x4096xf32, #tpu.memory_space<hbm>> -> memref<1x4096xf32, #tpu.memory_space<hbm>>
        %dma_start3A_47 = tpu.memref_squeeze %dma_start3A_46 : memref<1x4096xf32, #tpu.memory_space<hbm>> -> memref<4096xf32, #tpu.memory_space<hbm>>
        tpu.enqueue_dma source(%arg9 : memref<4096xf32, #tpu.memory_space<vmem>>) target(%dma_start3A_47 : memref<4096xf32, #tpu.memory_space<hbm>>) target_semaphore(%run_scoped3A : memref<!tpu.dma_semaphore, #tpu.memory_space<semaphore_mem>>)
        %dma_wait3A_48 = arith.constant 0 : i32
        %dma_wait3A_49 = tpu.memref_slice %arg5[%add3A, %dma_wait3A_48] : memref<845x4096xf32, #tpu.memory_space<hbm>> -> memref<1x4096xf32, #tpu.memory_space<hbm>>
        %dma_wait3A_50 = tpu.memref_squeeze %dma_wait3A_49 : memref<1x4096xf32, #tpu.memory_space<hbm>> -> memref<4096xf32, #tpu.memory_space<hbm>>
        %dma_wait3A_51 = arith.constant 0 : i32
        %dma_wait3A_52 = tpu.memref_slice %arg5[%add3A, %dma_wait3A_51] : memref<845x4096xf32, #tpu.memory_space<hbm>> -> memref<1x4096xf32, #tpu.memory_space<hbm>>
        %dma_wait3A_53 = tpu.memref_squeeze %dma_wait3A_52 : memref<1x4096xf32, #tpu.memory_space<hbm>> -> memref<4096xf32, #tpu.memory_space<hbm>>
        tpu.wait_dma2 semaphore(%run_scoped3A : memref<!tpu.dma_semaphore, #tpu.memory_space<semaphore_mem>>) src(%arg9 : memref<4096xf32, #tpu.memory_space<vmem>>) dst(%dma_wait3A_53 : memref<4096xf32, #tpu.memory_space<hbm>>)
        tpu.yield
      }) : () -> ()
    } else {
    }
    %dma_start3A = arith.constant 0 : i32
    %dma_start3A_3 = arith.constant 0 : i32
    %dma_start3A_4 = tpu.memref_slice %arg3[%dma_start3A, %dma_start3A_3] : memref<26x4096xi32, #tpu.memory_space<hbm>> -> memref<1x4096xi32, #tpu.memory_space<hbm>>
    %dma_start3A_5 = tpu.memref_squeeze %dma_start3A_4 : memref<1x4096xi32, #tpu.memory_space<hbm>> -> memref<4096xi32, #tpu.memory_space<hbm>>
    %dma_start3A_6 = arith.constant 0 : i32
    %dma_start3A_7 = tpu.memref_slice %arg3[%dma_start3A, %dma_start3A_6] : memref<26x4096xi32, #tpu.memory_space<hbm>> -> memref<1x4096xi32, #tpu.memory_space<hbm>>
    %dma_start3A_8 = tpu.memref_squeeze %dma_start3A_7 : memref<1x4096xi32, #tpu.memory_space<hbm>> -> memref<4096xi32, #tpu.memory_space<hbm>>
    tpu.enqueue_dma source(%dma_start3A_8 : memref<4096xi32, #tpu.memory_space<hbm>>) target(%arg6 : memref<4096xi32, #tpu.memory_space<vmem>>) target_semaphore(%arg11 : memref<!tpu.dma_semaphore, #tpu.memory_space<semaphore_mem>>)
    %dma_wait3A = arith.constant 0 : i32
    %dma_wait3A_9 = arith.constant 0 : i32
    %dma_wait3A_10 = tpu.memref_slice %arg3[%dma_wait3A, %dma_wait3A_9] : memref<26x4096xi32, #tpu.memory_space<hbm>> -> memref<1x4096xi32, #tpu.memory_space<hbm>>
    %dma_wait3A_11 = tpu.memref_squeeze %dma_wait3A_10 : memref<1x4096xi32, #tpu.memory_space<hbm>> -> memref<4096xi32, #tpu.memory_space<hbm>>
    %dma_wait3A_12 = arith.constant 0 : i32
    %dma_wait3A_13 = tpu.memref_slice %arg3[%dma_wait3A, %dma_wait3A_12] : memref<26x4096xi32, #tpu.memory_space<hbm>> -> memref<1x4096xi32, #tpu.memory_space<hbm>>
    %dma_wait3A_14 = tpu.memref_squeeze %dma_wait3A_13 : memref<1x4096xi32, #tpu.memory_space<hbm>> -> memref<4096xi32, #tpu.memory_space<hbm>>
    tpu.wait_dma2 semaphore(%arg11 : memref<!tpu.dma_semaphore, #tpu.memory_space<semaphore_mem>>) src(%dma_wait3A_14 : memref<4096xi32, #tpu.memory_space<hbm>>) dst(%arg6 : memref<4096xi32, #tpu.memory_space<vmem>>)
    %dma_start3A_15 = arith.constant 1 : i32
    %dma_start3A_16 = arith.constant 0 : i32
    %dma_start3A_17 = tpu.memref_slice %arg3[%dma_start3A_15, %dma_start3A_16] : memref<26x4096xi32, #tpu.memory_space<hbm>> -> memref<1x4096xi32, #tpu.memory_space<hbm>>
    %dma_start3A_18 = tpu.memref_squeeze %dma_start3A_17 : memref<1x4096xi32, #tpu.memory_space<hbm>> -> memref<4096xi32, #tpu.memory_space<hbm>>
    %dma_start3A_19 = arith.constant 0 : i32
    %dma_start3A_20 = tpu.memref_slice %arg3[%dma_start3A_15, %dma_start3A_19] : memref<26x4096xi32, #tpu.memory_space<hbm>> -> memref<1x4096xi32, #tpu.memory_space<hbm>>
    %dma_start3A_21 = tpu.memref_squeeze %dma_start3A_20 : memref<1x4096xi32, #tpu.memory_space<hbm>> -> memref<4096xi32, #tpu.memory_space<hbm>>
    tpu.enqueue_dma source(%dma_start3A_21 : memref<4096xi32, #tpu.memory_space<hbm>>) target(%arg7 : memref<4096xi32, #tpu.memory_space<vmem>>) target_semaphore(%arg12 : memref<!tpu.dma_semaphore, #tpu.memory_space<semaphore_mem>>)
    %scan3A = arith.constant 0 : i32
    %scan3A_22 = arith.constant 13 : i32
    %scan3A_23 = arith.addi %scan3A, %scan3A_22 : i32
    %scan3A_24 = arith.constant 1 : i32
    scf.for %scan3A_42 = %scan3A to %scan3A_23 step %scan3A_24  : i32 {
      %mul3A_43 = arith.constant 1 : i32
      %mul3A_44 = arith.muli %scan3A_42, %mul3A_43 : i32
      %add3A_45 = arith.constant 0 : i32
      %add3A_46 = arith.addi %add3A_45, %mul3A_44 : i32
      %mul3A_47 = arith.constant 2 : i32
      %mul3A_48 = arith.muli %mul3A_47, %add3A_46 : i32
      "tpu.region"() ({
        %run_scoped3A = tpu.sem_alloc : memref<!tpu.dma_semaphore, #tpu.memory_space<semaphore_mem>>
        %dma_start3A_122 = arith.constant 0 : i32
        %dma_start3A_123 = tpu.memref_slice %arg2[%mul3A_48, %add3A, %dma_start3A_122] : memref<26x32x100000xf32, #tpu.memory_space<hbm>> -> memref<1x1x100000xf32, #tpu.memory_space<hbm>>
        %dma_start3A_124 = tpu.memref_squeeze %dma_start3A_123 : memref<1x1x100000xf32, #tpu.memory_space<hbm>> -> memref<100000xf32, #tpu.memory_space<hbm>>
        %dma_start3A_125 = arith.constant 0 : i32
        %dma_start3A_126 = tpu.memref_slice %arg2[%mul3A_48, %add3A, %dma_start3A_125] : memref<26x32x100000xf32, #tpu.memory_space<hbm>> -> memref<1x1x100000xf32, #tpu.memory_space<hbm>>
        %dma_start3A_127 = tpu.memref_squeeze %dma_start3A_126 : memref<1x1x100000xf32, #tpu.memory_space<hbm>> -> memref<100000xf32, #tpu.memory_space<hbm>>
        tpu.enqueue_dma source(%dma_start3A_127 : memref<100000xf32, #tpu.memory_space<hbm>>) target(%arg8 : memref<100000xf32, #tpu.memory_space<vmem>>) target_semaphore(%run_scoped3A : memref<!tpu.dma_semaphore, #tpu.memory_space<semaphore_mem>>)
        %dma_wait3A_128 = arith.constant 0 : i32
        %dma_wait3A_129 = tpu.memref_slice %arg2[%mul3A_48, %add3A, %dma_wait3A_128] : memref<26x32x100000xf32, #tpu.memory_space<hbm>> -> memref<1x1x100000xf32, #tpu.memory_space<hbm>>
        %dma_wait3A_130 = tpu.memref_squeeze %dma_wait3A_129 : memref<1x1x100000xf32, #tpu.memory_space<hbm>> -> memref<100000xf32, #tpu.memory_space<hbm>>
        %dma_wait3A_131 = arith.constant 0 : i32
        %dma_wait3A_132 = tpu.memref_slice %arg2[%mul3A_48, %add3A, %dma_wait3A_131] : memref<26x32x100000xf32, #tpu.memory_space<hbm>> -> memref<1x1x100000xf32, #tpu.memory_space<hbm>>
        %dma_wait3A_133 = tpu.memref_squeeze %dma_wait3A_132 : memref<1x1x100000xf32, #tpu.memory_space<hbm>> -> memref<100000xf32, #tpu.memory_space<hbm>>
        tpu.wait_dma2 semaphore(%run_scoped3A : memref<!tpu.dma_semaphore, #tpu.memory_space<semaphore_mem>>) src(%dma_wait3A_133 : memref<100000xf32, #tpu.memory_space<hbm>>) dst(%arg8 : memref<100000xf32, #tpu.memory_space<vmem>>)
        tpu.yield
      }) : () -> ()
      %add3A_49 = arith.constant 0 : i32
      %add3A_50 = arith.addi %add3A_46, %add3A_49 : i32
      %ge3A = arith.constant 1 : i32
      %ge3A_51 = arith.cmpi sge, %add3A_50, %ge3A : i32
      %convert_element_type3A_52 = arith.extui %ge3A_51 : i1 to i32
      %cond3A_53 = arith.constant 0 : i32
      %cond3A_54 = arith.cmpi ne, %convert_element_type3A_52, %cond3A_53 : i32
      scf.if %cond3A_54 {
        %dma_wait3A_122 = arith.constant 0 : i32
        %dma_wait3A_123 = tpu.memref_slice %arg3[%mul3A_48, %dma_wait3A_122] : memref<26x4096xi32, #tpu.memory_space<hbm>> -> memref<1x4096xi32, #tpu.memory_space<hbm>>
        %dma_wait3A_124 = tpu.memref_squeeze %dma_wait3A_123 : memref<1x4096xi32, #tpu.memory_space<hbm>> -> memref<4096xi32, #tpu.memory_space<hbm>>
        %dma_wait3A_125 = arith.constant 0 : i32
        %dma_wait3A_126 = tpu.memref_slice %arg3[%mul3A_48, %dma_wait3A_125] : memref<26x4096xi32, #tpu.memory_space<hbm>> -> memref<1x4096xi32, #tpu.memory_space<hbm>>
        %dma_wait3A_127 = tpu.memref_squeeze %dma_wait3A_126 : memref<1x4096xi32, #tpu.memory_space<hbm>> -> memref<4096xi32, #tpu.memory_space<hbm>>
        tpu.wait_dma2 semaphore(%arg11 : memref<!tpu.dma_semaphore, #tpu.memory_space<semaphore_mem>>) src(%dma_wait3A_127 : memref<4096xi32, #tpu.memory_space<hbm>>) dst(%arg6 : memref<4096xi32, #tpu.memory_space<vmem>>)
      } else {
      }
      %ge3A_55 = arith.constant 1 : i32
      %ge3A_56 = arith.cmpi sge, %add3A_46, %ge3A_55 : i32
      %convert_element_type3A_57 = arith.extui %ge3A_56 : i1 to i32
      %cond3A_58 = arith.constant 0 : i32
      %cond3A_59 = arith.cmpi ne, %convert_element_type3A_57, %cond3A_58 : i32
      scf.if %cond3A_59 {
        %sub3A = arith.constant 2 : i32
        %sub3A_122 = arith.subi %mul3A_48, %sub3A : i32
        %mul3A_123 = arith.constant 32 : i32
        %mul3A_124 = arith.muli %mul3A_123, %sub3A_122 : i32
        %add3A_125 = arith.constant 13 : i32
        %add3A_126 = arith.addi %add3A_125, %mul3A_124 : i32
        %add3A_127 = arith.addi %add3A_126, %add3A : i32
        %dma_wait3A_128 = arith.constant 0 : i32
        %dma_wait3A_129 = tpu.memref_slice %arg5[%add3A_127, %dma_wait3A_128] : memref<845x4096xf32, #tpu.memory_space<hbm>> -> memref<1x4096xf32, #tpu.memory_space<hbm>>
        %dma_wait3A_130 = tpu.memref_squeeze %dma_wait3A_129 : memref<1x4096xf32, #tpu.memory_space<hbm>> -> memref<4096xf32, #tpu.memory_space<hbm>>
        %dma_wait3A_131 = arith.constant 0 : i32
        %dma_wait3A_132 = tpu.memref_slice %arg5[%add3A_127, %dma_wait3A_131] : memref<845x4096xf32, #tpu.memory_space<hbm>> -> memref<1x4096xf32, #tpu.memory_space<hbm>>
        %dma_wait3A_133 = tpu.memref_squeeze %dma_wait3A_132 : memref<1x4096xf32, #tpu.memory_space<hbm>> -> memref<4096xf32, #tpu.memory_space<hbm>>
        tpu.wait_dma2 semaphore(%arg13 : memref<!tpu.dma_semaphore, #tpu.memory_space<semaphore_mem>>) src(%arg9 : memref<4096xf32, #tpu.memory_space<vmem>>) dst(%dma_wait3A_133 : memref<4096xf32, #tpu.memory_space<hbm>>)
      } else {
      }
      %scan3A_60 = arith.constant 0 : i32
      %scan3A_61 = arith.constant 32 : i32
      %scan3A_62 = arith.addi %scan3A_60, %scan3A_61 : i32
      %scan3A_63 = arith.constant 1 : i32
      scf.for %scan3A_122 = %scan3A_60 to %scan3A_62 step %scan3A_63  : i32 {
        %mul3A_123 = arith.constant 1 : i32
        %mul3A_124 = arith.muli %scan3A_122, %mul3A_123 : i32
        %add3A_125 = arith.constant 0 : i32
        %add3A_126 = arith.addi %add3A_125, %mul3A_124 : i32
        %mul3A_127 = arith.constant 8 : i32
        %mul3A_128 = arith.muli %add3A_126, %mul3A_127 : i32
        %add3A_129 = arith.constant 0 : i32
        %add3A_130 = arith.addi %mul3A_128, %add3A_129 : i32
        %mul3A_131 = arith.constant 16 : i32
        %mul3A_132 = arith.muli %add3A_130, %mul3A_131 : i32
        %get3A = arith.index_cast %mul3A_132 : i32 to index
        %get3A_133 = tpu.vector_load %arg6[%get3A] {strides = array<i32>} : memref<4096xi32, #tpu.memory_space<vmem>>, vector<16xi32>,
        %gather3A = tpu.vector_load_idx %arg8[%get3A_133] : memref<100000xf32, #tpu.memory_space<vmem>>[vector<16xi32>], vector<16xf32>,
        %swap3A = arith.index_cast %mul3A_132 : i32 to index
        %swap3A_134 = tpu.vector_load %arg9[%swap3A] {strides = array<i32>} : memref<4096xf32, #tpu.memory_space<vmem>>, vector<16xf32>,
        tpu.vector_store %arg9[%swap3A], %gather3A {strides = array<i32>} : memref<4096xf32, #tpu.memory_space<vmem>>, vector<16xf32>,
        %mul3A_135 = arith.constant 8 : i32
        %mul3A_136 = arith.muli %add3A_126, %mul3A_135 : i32
        %add3A_137 = arith.constant 1 : i32
        %add3A_138 = arith.addi %mul3A_136, %add3A_137 : i32
        %mul3A_139 = arith.constant 16 : i32
        %mul3A_140 = arith.muli %add3A_138, %mul3A_139 : i32
        %get3A_141 = arith.index_cast %mul3A_140 : i32 to index
        %get3A_142 = tpu.vector_load %arg6[%get3A_141] {strides = array<i32>} : memref<4096xi32, #tpu.memory_space<vmem>>, vector<16xi32>,
        %gather3A_143 = tpu.vector_load_idx %arg8[%get3A_142] : memref<100000xf32, #tpu.memory_space<vmem>>[vector<16xi32>], vector<16xf32>,
        %swap3A_144 = arith.index_cast %mul3A_140 : i32 to index
        %swap3A_145 = tpu.vector_load %arg9[%swap3A_144] {strides = array<i32>} : memref<4096xf32, #tpu.memory_space<vmem>>, vector<16xf32>,
        tpu.vector_store %arg9[%swap3A_144], %gather3A_143 {strides = array<i32>} : memref<4096xf32, #tpu.memory_space<vmem>>, vector<16xf32>,
        %mul3A_146 = arith.constant 8 : i32
        %mul3A_147 = arith.muli %add3A_126, %mul3A_146 : i32
        %add3A_148 = arith.constant 2 : i32
        %add3A_149 = arith.addi %mul3A_147, %add3A_148 : i32
        %mul3A_150 = arith.constant 16 : i32
        %mul3A_151 = arith.muli %add3A_149, %mul3A_150 : i32
        %get3A_152 = arith.index_cast %mul3A_151 : i32 to index
        %get3A_153 = tpu.vector_load %arg6[%get3A_152] {strides = array<i32>} : memref<4096xi32, #tpu.memory_space<vmem>>, vector<16xi32>,
        %gather3A_154 = tpu.vector_load_idx %arg8[%get3A_153] : memref<100000xf32, #tpu.memory_space<vmem>>[vector<16xi32>], vector<16xf32>,
        %swap3A_155 = arith.index_cast %mul3A_151 : i32 to index
        %swap3A_156 = tpu.vector_load %arg9[%swap3A_155] {strides = array<i32>} : memref<4096xf32, #tpu.memory_space<vmem>>, vector<16xf32>,
        tpu.vector_store %arg9[%swap3A_155], %gather3A_154 {strides = array<i32>} : memref<4096xf32, #tpu.memory_space<vmem>>, vector<16xf32>,
        %mul3A_157 = arith.constant 8 : i32
        %mul3A_158 = arith.muli %add3A_126, %mul3A_157 : i32
        %add3A_159 = arith.constant 3 : i32
        %add3A_160 = arith.addi %mul3A_158, %add3A_159 : i32
        %mul3A_161 = arith.constant 16 : i32
        %mul3A_162 = arith.muli %add3A_160, %mul3A_161 : i32
        %get3A_163 = arith.index_cast %mul3A_162 : i32 to index
        %get3A_164 = tpu.vector_load %arg6[%get3A_163] {strides = array<i32>} : memref<4096xi32, #tpu.memory_space<vmem>>, vector<16xi32>,
        %gather3A_165 = tpu.vector_load_idx %arg8[%get3A_164] : memref<100000xf32, #tpu.memory_space<vmem>>[vector<16xi32>], vector<16xf32>,
        %swap3A_166 = arith.index_cast %mul3A_162 : i32 to index
        %swap3A_167 = tpu.vector_load %arg9[%swap3A_166] {strides = array<i32>} : memref<4096xf32, #tpu.memory_space<vmem>>, vector<16xf32>,
        tpu.vector_store %arg9[%swap3A_166], %gather3A_165 {strides = array<i32>} : memref<4096xf32, #tpu.memory_space<vmem>>, vector<16xf32>,
        %mul3A_168 = arith.constant 8 : i32
        %mul3A_169 = arith.muli %add3A_126, %mul3A_168 : i32
        %add3A_170 = arith.constant 4 : i32
        %add3A_171 = arith.addi %mul3A_169, %add3A_170 : i32
        %mul3A_172 = arith.constant 16 : i32
        %mul3A_173 = arith.muli %add3A_171, %mul3A_172 : i32
        %get3A_174 = arith.index_cast %mul3A_173 : i32 to index
        %get3A_175 = tpu.vector_load %arg6[%get3A_174] {strides = array<i32>} : memref<4096xi32, #tpu.memory_space<vmem>>, vector<16xi32>,
        %gather3A_176 = tpu.vector_load_idx %arg8[%get3A_175] : memref<100000xf32, #tpu.memory_space<vmem>>[vector<16xi32>], vector<16xf32>,
        %swap3A_177 = arith.index_cast %mul3A_173 : i32 to index
        %swap3A_178 = tpu.vector_load %arg9[%swap3A_177] {strides = array<i32>} : memref<4096xf32, #tpu.memory_space<vmem>>, vector<16xf32>,
        tpu.vector_store %arg9[%swap3A_177], %gather3A_176 {strides = array<i32>} : memref<4096xf32, #tpu.memory_space<vmem>>, vector<16xf32>,
        %mul3A_179 = arith.constant 8 : i32
        %mul3A_180 = arith.muli %add3A_126, %mul3A_179 : i32
        %add3A_181 = arith.constant 5 : i32
        %add3A_182 = arith.addi %mul3A_180, %add3A_181 : i32
        %mul3A_183 = arith.constant 16 : i32
        %mul3A_184 = arith.muli %add3A_182, %mul3A_183 : i32
        %get3A_185 = arith.index_cast %mul3A_184 : i32 to index
        %get3A_186 = tpu.vector_load %arg6[%get3A_185] {strides = array<i32>} : memref<4096xi32, #tpu.memory_space<vmem>>, vector<16xi32>,
        %gather3A_187 = tpu.vector_load_idx %arg8[%get3A_186] : memref<100000xf32, #tpu.memory_space<vmem>>[vector<16xi32>], vector<16xf32>,
        %swap3A_188 = arith.index_cast %mul3A_184 : i32 to index
        %swap3A_189 = tpu.vector_load %arg9[%swap3A_188] {strides = array<i32>} : memref<4096xf32, #tpu.memory_space<vmem>>, vector<16xf32>,
        tpu.vector_store %arg9[%swap3A_188], %gather3A_187 {strides = array<i32>} : memref<4096xf32, #tpu.memory_space<vmem>>, vector<16xf32>,
        %mul3A_190 = arith.constant 8 : i32
        %mul3A_191 = arith.muli %add3A_126, %mul3A_190 : i32
        %add3A_192 = arith.constant 6 : i32
        %add3A_193 = arith.addi %mul3A_191, %add3A_192 : i32
        %mul3A_194 = arith.constant 16 : i32
        %mul3A_195 = arith.muli %add3A_193, %mul3A_194 : i32
        %get3A_196 = arith.index_cast %mul3A_195 : i32 to index
        %get3A_197 = tpu.vector_load %arg6[%get3A_196] {strides = array<i32>} : memref<4096xi32, #tpu.memory_space<vmem>>, vector<16xi32>,
        %gather3A_198 = tpu.vector_load_idx %arg8[%get3A_197] : memref<100000xf32, #tpu.memory_space<vmem>>[vector<16xi32>], vector<16xf32>,
        %swap3A_199 = arith.index_cast %mul3A_195 : i32 to index
        %swap3A_200 = tpu.vector_load %arg9[%swap3A_199] {strides = array<i32>} : memref<4096xf32, #tpu.memory_space<vmem>>, vector<16xf32>,
        tpu.vector_store %arg9[%swap3A_199], %gather3A_198 {strides = array<i32>} : memref<4096xf32, #tpu.memory_space<vmem>>, vector<16xf32>,
        %mul3A_201 = arith.constant 8 : i32
        %mul3A_202 = arith.muli %add3A_126, %mul3A_201 : i32
        %add3A_203 = arith.constant 7 : i32
        %add3A_204 = arith.addi %mul3A_202, %add3A_203 : i32
        %mul3A_205 = arith.constant 16 : i32
        %mul3A_206 = arith.muli %add3A_204, %mul3A_205 : i32
        %get3A_207 = arith.index_cast %mul3A_206 : i32 to index
        %get3A_208 = tpu.vector_load %arg6[%get3A_207] {strides = array<i32>} : memref<4096xi32, #tpu.memory_space<vmem>>, vector<16xi32>,
        %gather3A_209 = tpu.vector_load_idx %arg8[%get3A_208] : memref<100000xf32, #tpu.memory_space<vmem>>[vector<16xi32>], vector<16xf32>,
        %swap3A_210 = arith.index_cast %mul3A_206 : i32 to index
        %swap3A_211 = tpu.vector_load %arg9[%swap3A_210] {strides = array<i32>} : memref<4096xf32, #tpu.memory_space<vmem>>, vector<16xf32>,
        tpu.vector_store %arg9[%swap3A_210], %gather3A_209 {strides = array<i32>} : memref<4096xf32, #tpu.memory_space<vmem>>, vector<16xf32>,
      }
      %scan3A_64 = arith.constant 32 : i32
      %mul3A_65 = arith.constant 32 : i32
      %mul3A_66 = arith.muli %mul3A_65, %mul3A_48 : i32
      %add3A_67 = arith.constant 13 : i32
      %add3A_68 = arith.addi %add3A_67, %mul3A_66 : i32
      %add3A_69 = arith.addi %add3A_68, %add3A : i32
      %dma_start3A_70 = arith.constant 0 : i32
      %dma_start3A_71 = tpu.memref_slice %arg5[%add3A_69, %dma_start3A_70] : memref<845x4096xf32, #tpu.memory_space<hbm>> -> memref<1x4096xf32, #tpu.memory_space<hbm>>
      %dma_start3A_72 = tpu.memref_squeeze %dma_start3A_71 : memref<1x4096xf32, #tpu.memory_space<hbm>> -> memref<4096xf32, #tpu.memory_space<hbm>>
      %dma_start3A_73 = arith.constant 0 : i32
      %dma_start3A_74 = tpu.memref_slice %arg5[%add3A_69, %dma_start3A_73] : memref<845x4096xf32, #tpu.memory_space<hbm>> -> memref<1x4096xf32, #tpu.memory_space<hbm>>
      %dma_start3A_75 = tpu.memref_squeeze %dma_start3A_74 : memref<1x4096xf32, #tpu.memory_space<hbm>> -> memref<4096xf32, #tpu.memory_space<hbm>>
      tpu.enqueue_dma source(%arg9 : memref<4096xf32, #tpu.memory_space<vmem>>) target(%dma_start3A_75 : memref<4096xf32, #tpu.memory_space<hbm>>) target_semaphore(%arg13 : memref<!tpu.dma_semaphore, #tpu.memory_space<semaphore_mem>>)
      %add3A_76 = arith.constant 2 : i32
      %add3A_77 = arith.addi %mul3A_48, %add3A_76 : i32
      %lt3A_78 = arith.constant 26 : i32
      %lt3A_79 = arith.cmpi slt, %add3A_77, %lt3A_78 : i32
      %convert_element_type3A_80 = arith.extui %lt3A_79 : i1 to i32
      %cond3A_81 = arith.constant 0 : i32
      %cond3A_82 = arith.cmpi ne, %convert_element_type3A_80, %cond3A_81 : i32
      scf.if %cond3A_82 {
        %add3A_122 = arith.constant 2 : i32
        %add3A_123 = arith.addi %mul3A_48, %add3A_122 : i32
        %dma_start3A_124 = arith.constant 0 : i32
        %dma_start3A_125 = tpu.memref_slice %arg3[%add3A_123, %dma_start3A_124] : memref<26x4096xi32, #tpu.memory_space<hbm>> -> memref<1x4096xi32, #tpu.memory_space<hbm>>
        %dma_start3A_126 = tpu.memref_squeeze %dma_start3A_125 : memref<1x4096xi32, #tpu.memory_space<hbm>> -> memref<4096xi32, #tpu.memory_space<hbm>>
        %dma_start3A_127 = arith.constant 0 : i32
        %dma_start3A_128 = tpu.memref_slice %arg3[%add3A_123, %dma_start3A_127] : memref<26x4096xi32, #tpu.memory_space<hbm>> -> memref<1x4096xi32, #tpu.memory_space<hbm>>
        %dma_start3A_129 = tpu.memref_squeeze %dma_start3A_128 : memref<1x4096xi32, #tpu.memory_space<hbm>> -> memref<4096xi32, #tpu.memory_space<hbm>>
        tpu.enqueue_dma source(%dma_start3A_129 : memref<4096xi32, #tpu.memory_space<hbm>>) target(%arg6 : memref<4096xi32, #tpu.memory_space<vmem>>) target_semaphore(%arg11 : memref<!tpu.dma_semaphore, #tpu.memory_space<semaphore_mem>>)
      } else {
      }
      %mul3A_83 = arith.constant 2 : i32
      %mul3A_84 = arith.muli %mul3A_83, %add3A_46 : i32
      %add3A_85 = arith.constant 1 : i32
      %add3A_86 = arith.addi %mul3A_84, %add3A_85 : i32
      "tpu.region"() ({
        %run_scoped3A = tpu.sem_alloc : memref<!tpu.dma_semaphore, #tpu.memory_space<semaphore_mem>>
        %dma_start3A_122 = arith.constant 0 : i32
        %dma_start3A_123 = tpu.memref_slice %arg2[%add3A_86, %add3A, %dma_start3A_122] : memref<26x32x100000xf32, #tpu.memory_space<hbm>> -> memref<1x1x100000xf32, #tpu.memory_space<hbm>>
        %dma_start3A_124 = tpu.memref_squeeze %dma_start3A_123 : memref<1x1x100000xf32, #tpu.memory_space<hbm>> -> memref<100000xf32, #tpu.memory_space<hbm>>
        %dma_start3A_125 = arith.constant 0 : i32
        %dma_start3A_126 = tpu.memref_slice %arg2[%add3A_86, %add3A, %dma_start3A_125] : memref<26x32x100000xf32, #tpu.memory_space<hbm>> -> memref<1x1x100000xf32, #tpu.memory_space<hbm>>
        %dma_start3A_127 = tpu.memref_squeeze %dma_start3A_126 : memref<1x1x100000xf32, #tpu.memory_space<hbm>> -> memref<100000xf32, #tpu.memory_space<hbm>>
        tpu.enqueue_dma source(%dma_start3A_127 : memref<100000xf32, #tpu.memory_space<hbm>>) target(%arg8 : memref<100000xf32, #tpu.memory_space<vmem>>) target_semaphore(%run_scoped3A : memref<!tpu.dma_semaphore, #tpu.memory_space<semaphore_mem>>)
        %dma_wait3A_128 = arith.constant 0 : i32
        %dma_wait3A_129 = tpu.memref_slice %arg2[%add3A_86, %add3A, %dma_wait3A_128] : memref<26x32x100000xf32, #tpu.memory_space<hbm>> -> memref<1x1x100000xf32, #tpu.memory_space<hbm>>
        %dma_wait3A_130 = tpu.memref_squeeze %dma_wait3A_129 : memref<1x1x100000xf32, #tpu.memory_space<hbm>> -> memref<100000xf32, #tpu.memory_space<hbm>>
        %dma_wait3A_131 = arith.constant 0 : i32
        %dma_wait3A_132 = tpu.memref_slice %arg2[%add3A_86, %add3A, %dma_wait3A_131] : memref<26x32x100000xf32, #tpu.memory_space<hbm>> -> memref<1x1x100000xf32, #tpu.memory_space<hbm>>
        %dma_wait3A_133 = tpu.memref_squeeze %dma_wait3A_132 : memref<1x1x100000xf32, #tpu.memory_space<hbm>> -> memref<100000xf32, #tpu.memory_space<hbm>>
        tpu.wait_dma2 semaphore(%run_scoped3A : memref<!tpu.dma_semaphore, #tpu.memory_space<semaphore_mem>>) src(%dma_wait3A_133 : memref<100000xf32, #tpu.memory_space<hbm>>) dst(%arg8 : memref<100000xf32, #tpu.memory_space<vmem>>)
        tpu.yield
      }) : () -> ()
      %add3A_87 = arith.constant 1 : i32
      %add3A_88 = arith.addi %add3A_46, %add3A_87 : i32
      %ge3A_89 = arith.constant 1 : i32
      %ge3A_90 = arith.cmpi sge, %add3A_88, %ge3A_89 : i32
      %convert_element_type3A_91 = arith.extui %ge3A_90 : i1 to i32
      %cond3A_92 = arith.constant 0 : i32
      %cond3A_93 = arith.cmpi ne, %convert_element_type3A_91, %cond3A_92 : i32
      scf.if %cond3A_93 {
        %dma_wait3A_122 = arith.constant 0 : i32
        %dma_wait3A_123 = tpu.memref_slice %arg3[%add3A_86, %dma_wait3A_122] : memref<26x4096xi32, #tpu.memory_space<hbm>> -> memref<1x4096xi32, #tpu.memory_space<hbm>>
        %dma_wait3A_124 = tpu.memref_squeeze %dma_wait3A_123 : memref<1x4096xi32, #tpu.memory_space<hbm>> -> memref<4096xi32, #tpu.memory_space<hbm>>
        %dma_wait3A_125 = arith.constant 0 : i32
        %dma_wait3A_126 = tpu.memref_slice %arg3[%add3A_86, %dma_wait3A_125] : memref<26x4096xi32, #tpu.memory_space<hbm>> -> memref<1x4096xi32, #tpu.memory_space<hbm>>
        %dma_wait3A_127 = tpu.memref_squeeze %dma_wait3A_126 : memref<1x4096xi32, #tpu.memory_space<hbm>> -> memref<4096xi32, #tpu.memory_space<hbm>>
        tpu.wait_dma2 semaphore(%arg12 : memref<!tpu.dma_semaphore, #tpu.memory_space<semaphore_mem>>) src(%dma_wait3A_127 : memref<4096xi32, #tpu.memory_space<hbm>>) dst(%arg7 : memref<4096xi32, #tpu.memory_space<vmem>>)
      } else {
      }
      %ge3A_94 = arith.constant 1 : i32
      %ge3A_95 = arith.cmpi sge, %add3A_46, %ge3A_94 : i32
      %convert_element_type3A_96 = arith.extui %ge3A_95 : i1 to i32
      %cond3A_97 = arith.constant 0 : i32
      %cond3A_98 = arith.cmpi ne, %convert_element_type3A_96, %cond3A_97 : i32
      scf.if %cond3A_98 {
        %sub3A = arith.constant 2 : i32
        %sub3A_122 = arith.subi %add3A_86, %sub3A : i32
        %mul3A_123 = arith.constant 32 : i32
        %mul3A_124 = arith.muli %mul3A_123, %sub3A_122 : i32
        %add3A_125 = arith.constant 13 : i32
        %add3A_126 = arith.addi %add3A_125, %mul3A_124 : i32
        %add3A_127 = arith.addi %add3A_126, %add3A : i32
        %dma_wait3A_128 = arith.constant 0 : i32
        %dma_wait3A_129 = tpu.memref_slice %arg5[%add3A_127, %dma_wait3A_128] : memref<845x4096xf32, #tpu.memory_space<hbm>> -> memref<1x4096xf32, #tpu.memory_space<hbm>>
        %dma_wait3A_130 = tpu.memref_squeeze %dma_wait3A_129 : memref<1x4096xf32, #tpu.memory_space<hbm>> -> memref<4096xf32, #tpu.memory_space<hbm>>
        %dma_wait3A_131 = arith.constant 0 : i32
        %dma_wait3A_132 = tpu.memref_slice %arg5[%add3A_127, %dma_wait3A_131] : memref<845x4096xf32, #tpu.memory_space<hbm>> -> memref<1x4096xf32, #tpu.memory_space<hbm>>
        %dma_wait3A_133 = tpu.memref_squeeze %dma_wait3A_132 : memref<1x4096xf32, #tpu.memory_space<hbm>> -> memref<4096xf32, #tpu.memory_space<hbm>>
        tpu.wait_dma2 semaphore(%arg14 : memref<!tpu.dma_semaphore, #tpu.memory_space<semaphore_mem>>) src(%arg10 : memref<4096xf32, #tpu.memory_space<vmem>>) dst(%dma_wait3A_133 : memref<4096xf32, #tpu.memory_space<hbm>>)
      } else {
      }
      %scan3A_99 = arith.constant 0 : i32
      %scan3A_100 = arith.constant 32 : i32
      %scan3A_101 = arith.addi %scan3A_99, %scan3A_100 : i32
      %scan3A_102 = arith.constant 1 : i32
      scf.for %scan3A_122 = %scan3A_99 to %scan3A_101 step %scan3A_102  : i32 {
        %mul3A_123 = arith.constant 1 : i32
        %mul3A_124 = arith.muli %scan3A_122, %mul3A_123 : i32
        %add3A_125 = arith.constant 0 : i32
        %add3A_126 = arith.addi %add3A_125, %mul3A_124 : i32
        %mul3A_127 = arith.constant 8 : i32
        %mul3A_128 = arith.muli %add3A_126, %mul3A_127 : i32
        %add3A_129 = arith.constant 0 : i32
        %add3A_130 = arith.addi %mul3A_128, %add3A_129 : i32
        %mul3A_131 = arith.constant 16 : i32
        %mul3A_132 = arith.muli %add3A_130, %mul3A_131 : i32
        %get3A = arith.index_cast %mul3A_132 : i32 to index
        %get3A_133 = tpu.vector_load %arg7[%get3A] {strides = array<i32>} : memref<4096xi32, #tpu.memory_space<vmem>>, vector<16xi32>,
        %gather3A = tpu.vector_load_idx %arg8[%get3A_133] : memref<100000xf32, #tpu.memory_space<vmem>>[vector<16xi32>], vector<16xf32>,
        %swap3A = arith.index_cast %mul3A_132 : i32 to index
        %swap3A_134 = tpu.vector_load %arg10[%swap3A] {strides = array<i32>} : memref<4096xf32, #tpu.memory_space<vmem>>, vector<16xf32>,
        tpu.vector_store %arg10[%swap3A], %gather3A {strides = array<i32>} : memref<4096xf32, #tpu.memory_space<vmem>>, vector<16xf32>,
        %mul3A_135 = arith.constant 8 : i32
        %mul3A_136 = arith.muli %add3A_126, %mul3A_135 : i32
        %add3A_137 = arith.constant 1 : i32
        %add3A_138 = arith.addi %mul3A_136, %add3A_137 : i32
        %mul3A_139 = arith.constant 16 : i32
        %mul3A_140 = arith.muli %add3A_138, %mul3A_139 : i32
        %get3A_141 = arith.index_cast %mul3A_140 : i32 to index
        %get3A_142 = tpu.vector_load %arg7[%get3A_141] {strides = array<i32>} : memref<4096xi32, #tpu.memory_space<vmem>>, vector<16xi32>,
        %gather3A_143 = tpu.vector_load_idx %arg8[%get3A_142] : memref<100000xf32, #tpu.memory_space<vmem>>[vector<16xi32>], vector<16xf32>,
        %swap3A_144 = arith.index_cast %mul3A_140 : i32 to index
        %swap3A_145 = tpu.vector_load %arg10[%swap3A_144] {strides = array<i32>} : memref<4096xf32, #tpu.memory_space<vmem>>, vector<16xf32>,
        tpu.vector_store %arg10[%swap3A_144], %gather3A_143 {strides = array<i32>} : memref<4096xf32, #tpu.memory_space<vmem>>, vector<16xf32>,
        %mul3A_146 = arith.constant 8 : i32
        %mul3A_147 = arith.muli %add3A_126, %mul3A_146 : i32
        %add3A_148 = arith.constant 2 : i32
        %add3A_149 = arith.addi %mul3A_147, %add3A_148 : i32
        %mul3A_150 = arith.constant 16 : i32
        %mul3A_151 = arith.muli %add3A_149, %mul3A_150 : i32
        %get3A_152 = arith.index_cast %mul3A_151 : i32 to index
        %get3A_153 = tpu.vector_load %arg7[%get3A_152] {strides = array<i32>} : memref<4096xi32, #tpu.memory_space<vmem>>, vector<16xi32>,
        %gather3A_154 = tpu.vector_load_idx %arg8[%get3A_153] : memref<100000xf32, #tpu.memory_space<vmem>>[vector<16xi32>], vector<16xf32>,
        %swap3A_155 = arith.index_cast %mul3A_151 : i32 to index
        %swap3A_156 = tpu.vector_load %arg10[%swap3A_155] {strides = array<i32>} : memref<4096xf32, #tpu.memory_space<vmem>>, vector<16xf32>,
        tpu.vector_store %arg10[%swap3A_155], %gather3A_154 {strides = array<i32>} : memref<4096xf32, #tpu.memory_space<vmem>>, vector<16xf32>,
        %mul3A_157 = arith.constant 8 : i32
        %mul3A_158 = arith.muli %add3A_126, %mul3A_157 : i32
        %add3A_159 = arith.constant 3 : i32
        %add3A_160 = arith.addi %mul3A_158, %add3A_159 : i32
        %mul3A_161 = arith.constant 16 : i32
        %mul3A_162 = arith.muli %add3A_160, %mul3A_161 : i32
        %get3A_163 = arith.index_cast %mul3A_162 : i32 to index
        %get3A_164 = tpu.vector_load %arg7[%get3A_163] {strides = array<i32>} : memref<4096xi32, #tpu.memory_space<vmem>>, vector<16xi32>,
        %gather3A_165 = tpu.vector_load_idx %arg8[%get3A_164] : memref<100000xf32, #tpu.memory_space<vmem>>[vector<16xi32>], vector<16xf32>,
        %swap3A_166 = arith.index_cast %mul3A_162 : i32 to index
        %swap3A_167 = tpu.vector_load %arg10[%swap3A_166] {strides = array<i32>} : memref<4096xf32, #tpu.memory_space<vmem>>, vector<16xf32>,
        tpu.vector_store %arg10[%swap3A_166], %gather3A_165 {strides = array<i32>} : memref<4096xf32, #tpu.memory_space<vmem>>, vector<16xf32>,
        %mul3A_168 = arith.constant 8 : i32
        %mul3A_169 = arith.muli %add3A_126, %mul3A_168 : i32
        %add3A_170 = arith.constant 4 : i32
        %add3A_171 = arith.addi %mul3A_169, %add3A_170 : i32
        %mul3A_172 = arith.constant 16 : i32
        %mul3A_173 = arith.muli %add3A_171, %mul3A_172 : i32
        %get3A_174 = arith.index_cast %mul3A_173 : i32 to index
        %get3A_175 = tpu.vector_load %arg7[%get3A_174] {strides = array<i32>} : memref<4096xi32, #tpu.memory_space<vmem>>, vector<16xi32>,
        %gather3A_176 = tpu.vector_load_idx %arg8[%get3A_175] : memref<100000xf32, #tpu.memory_space<vmem>>[vector<16xi32>], vector<16xf32>,
        %swap3A_177 = arith.index_cast %mul3A_173 : i32 to index
        %swap3A_178 = tpu.vector_load %arg10[%swap3A_177] {strides = array<i32>} : memref<4096xf32, #tpu.memory_space<vmem>>, vector<16xf32>,
        tpu.vector_store %arg10[%swap3A_177], %gather3A_176 {strides = array<i32>} : memref<4096xf32, #tpu.memory_space<vmem>>, vector<16xf32>,
        %mul3A_179 = arith.constant 8 : i32
        %mul3A_180 = arith.muli %add3A_126, %mul3A_179 : i32
        %add3A_181 = arith.constant 5 : i32
        %add3A_182 = arith.addi %mul3A_180, %add3A_181 : i32
        %mul3A_183 = arith.constant 16 : i32
        %mul3A_184 = arith.muli %add3A_182, %mul3A_183 : i32
        %get3A_185 = arith.index_cast %mul3A_184 : i32 to index
        %get3A_186 = tpu.vector_load %arg7[%get3A_185] {strides = array<i32>} : memref<4096xi32, #tpu.memory_space<vmem>>, vector<16xi32>,
        %gather3A_187 = tpu.vector_load_idx %arg8[%get3A_186] : memref<100000xf32, #tpu.memory_space<vmem>>[vector<16xi32>], vector<16xf32>,
        %swap3A_188 = arith.index_cast %mul3A_184 : i32 to index
        %swap3A_189 = tpu.vector_load %arg10[%swap3A_188] {strides = array<i32>} : memref<4096xf32, #tpu.memory_space<vmem>>, vector<16xf32>,
        tpu.vector_store %arg10[%swap3A_188], %gather3A_187 {strides = array<i32>} : memref<4096xf32, #tpu.memory_space<vmem>>, vector<16xf32>,
        %mul3A_190 = arith.constant 8 : i32
        %mul3A_191 = arith.muli %add3A_126, %mul3A_190 : i32
        %add3A_192 = arith.constant 6 : i32
        %add3A_193 = arith.addi %mul3A_191, %add3A_192 : i32
        %mul3A_194 = arith.constant 16 : i32
        %mul3A_195 = arith.muli %add3A_193, %mul3A_194 : i32
        %get3A_196 = arith.index_cast %mul3A_195 : i32 to index
        %get3A_197 = tpu.vector_load %arg7[%get3A_196] {strides = array<i32>} : memref<4096xi32, #tpu.memory_space<vmem>>, vector<16xi32>,
        %gather3A_198 = tpu.vector_load_idx %arg8[%get3A_197] : memref<100000xf32, #tpu.memory_space<vmem>>[vector<16xi32>], vector<16xf32>,
        %swap3A_199 = arith.index_cast %mul3A_195 : i32 to index
        %swap3A_200 = tpu.vector_load %arg10[%swap3A_199] {strides = array<i32>} : memref<4096xf32, #tpu.memory_space<vmem>>, vector<16xf32>,
        tpu.vector_store %arg10[%swap3A_199], %gather3A_198 {strides = array<i32>} : memref<4096xf32, #tpu.memory_space<vmem>>, vector<16xf32>,
        %mul3A_201 = arith.constant 8 : i32
        %mul3A_202 = arith.muli %add3A_126, %mul3A_201 : i32
        %add3A_203 = arith.constant 7 : i32
        %add3A_204 = arith.addi %mul3A_202, %add3A_203 : i32
        %mul3A_205 = arith.constant 16 : i32
        %mul3A_206 = arith.muli %add3A_204, %mul3A_205 : i32
        %get3A_207 = arith.index_cast %mul3A_206 : i32 to index
        %get3A_208 = tpu.vector_load %arg7[%get3A_207] {strides = array<i32>} : memref<4096xi32, #tpu.memory_space<vmem>>, vector<16xi32>,
        %gather3A_209 = tpu.vector_load_idx %arg8[%get3A_208] : memref<100000xf32, #tpu.memory_space<vmem>>[vector<16xi32>], vector<16xf32>,
        %swap3A_210 = arith.index_cast %mul3A_206 : i32 to index
        %swap3A_211 = tpu.vector_load %arg10[%swap3A_210] {strides = array<i32>} : memref<4096xf32, #tpu.memory_space<vmem>>, vector<16xf32>,
        tpu.vector_store %arg10[%swap3A_210], %gather3A_209 {strides = array<i32>} : memref<4096xf32, #tpu.memory_space<vmem>>, vector<16xf32>,
      }
      %scan3A_103 = arith.constant 32 : i32
      %mul3A_104 = arith.constant 32 : i32
      %mul3A_105 = arith.muli %mul3A_104, %add3A_86 : i32
      %add3A_106 = arith.constant 13 : i32
      %add3A_107 = arith.addi %add3A_106, %mul3A_105 : i32
      %add3A_108 = arith.addi %add3A_107, %add3A : i32
      %dma_start3A_109 = arith.constant 0 : i32
      %dma_start3A_110 = tpu.memref_slice %arg5[%add3A_108, %dma_start3A_109] : memref<845x4096xf32, #tpu.memory_space<hbm>> -> memref<1x4096xf32, #tpu.memory_space<hbm>>
      %dma_start3A_111 = tpu.memref_squeeze %dma_start3A_110 : memref<1x4096xf32, #tpu.memory_space<hbm>> -> memref<4096xf32, #tpu.memory_space<hbm>>
      %dma_start3A_112 = arith.constant 0 : i32
      %dma_start3A_113 = tpu.memref_slice %arg5[%add3A_108, %dma_start3A_112] : memref<845x4096xf32, #tpu.memory_space<hbm>> -> memref<1x4096xf32, #tpu.memory_space<hbm>>
      %dma_start3A_114 = tpu.memref_squeeze %dma_start3A_113 : memref<1x4096xf32, #tpu.memory_space<hbm>> -> memref<4096xf32, #tpu.memory_space<hbm>>
      tpu.enqueue_dma source(%arg10 : memref<4096xf32, #tpu.memory_space<vmem>>) target(%dma_start3A_114 : memref<4096xf32, #tpu.memory_space<hbm>>) target_semaphore(%arg14 : memref<!tpu.dma_semaphore, #tpu.memory_space<semaphore_mem>>)
      %add3A_115 = arith.constant 2 : i32
      %add3A_116 = arith.addi %add3A_86, %add3A_115 : i32
      %lt3A_117 = arith.constant 26 : i32
      %lt3A_118 = arith.cmpi slt, %add3A_116, %lt3A_117 : i32
      %convert_element_type3A_119 = arith.extui %lt3A_118 : i1 to i32
      %cond3A_120 = arith.constant 0 : i32
      %cond3A_121 = arith.cmpi ne, %convert_element_type3A_119, %cond3A_120 : i32
      scf.if %cond3A_121 {
        %add3A_122 = arith.constant 2 : i32
        %add3A_123 = arith.addi %add3A_86, %add3A_122 : i32
        %dma_start3A_124 = arith.constant 0 : i32
        %dma_start3A_125 = tpu.memref_slice %arg3[%add3A_123, %dma_start3A_124] : memref<26x4096xi32, #tpu.memory_space<hbm>> -> memref<1x4096xi32, #tpu.memory_space<hbm>>
        %dma_start3A_126 = tpu.memref_squeeze %dma_start3A_125 : memref<1x4096xi32, #tpu.memory_space<hbm>> -> memref<4096xi32, #tpu.memory_space<hbm>>
        %dma_start3A_127 = arith.constant 0 : i32
        %dma_start3A_128 = tpu.memref_slice %arg3[%add3A_123, %dma_start3A_127] : memref<26x4096xi32, #tpu.memory_space<hbm>> -> memref<1x4096xi32, #tpu.memory_space<hbm>>
        %dma_start3A_129 = tpu.memref_squeeze %dma_start3A_128 : memref<1x4096xi32, #tpu.memory_space<hbm>> -> memref<4096xi32, #tpu.memory_space<hbm>>
        tpu.enqueue_dma source(%dma_start3A_129 : memref<4096xi32, #tpu.memory_space<hbm>>) target(%arg7 : memref<4096xi32, #tpu.memory_space<vmem>>) target_semaphore(%arg12 : memref<!tpu.dma_semaphore, #tpu.memory_space<semaphore_mem>>)
      } else {
      }
    }
    %scan3A_25 = arith.constant 13 : i32
    %add3A_26 = arith.constant 781 : i32
    %add3A_27 = arith.addi %add3A_26, %add3A : i32
    %dma_wait3A_28 = arith.constant 0 : i32
    %dma_wait3A_29 = tpu.memref_slice %arg5[%add3A_27, %dma_wait3A_28] : memref<845x4096xf32, #tpu.memory_space<hbm>> -> memref<1x4096xf32, #tpu.memory_space<hbm>>
    %dma_wait3A_30 = tpu.memref_squeeze %dma_wait3A_29 : memref<1x4096xf32, #tpu.memory_space<hbm>> -> memref<4096xf32, #tpu.memory_space<hbm>>
    %dma_wait3A_31 = arith.constant 0 : i32
    %dma_wait3A_32 = tpu.memref_slice %arg5[%add3A_27, %dma_wait3A_31] : memref<845x4096xf32, #tpu.memory_space<hbm>> -> memref<1x4096xf32, #tpu.memory_space<hbm>>
    %dma_wait3A_33 = tpu.memref_squeeze %dma_wait3A_32 : memref<1x4096xf32, #tpu.memory_space<hbm>> -> memref<4096xf32, #tpu.memory_space<hbm>>
    tpu.wait_dma2 semaphore(%arg13 : memref<!tpu.dma_semaphore, #tpu.memory_space<semaphore_mem>>) src(%arg9 : memref<4096xf32, #tpu.memory_space<vmem>>) dst(%dma_wait3A_33 : memref<4096xf32, #tpu.memory_space<hbm>>)
    %add3A_34 = arith.constant 813 : i32
    %add3A_35 = arith.addi %add3A_34, %add3A : i32
    %dma_wait3A_36 = arith.constant 0 : i32
    %dma_wait3A_37 = tpu.memref_slice %arg5[%add3A_35, %dma_wait3A_36] : memref<845x4096xf32, #tpu.memory_space<hbm>> -> memref<1x4096xf32, #tpu.memory_space<hbm>>
    %dma_wait3A_38 = tpu.memref_squeeze %dma_wait3A_37 : memref<1x4096xf32, #tpu.memory_space<hbm>> -> memref<4096xf32, #tpu.memory_space<hbm>>
    %dma_wait3A_39 = arith.constant 0 : i32
    %dma_wait3A_40 = tpu.memref_slice %arg5[%add3A_35, %dma_wait3A_39] : memref<845x4096xf32, #tpu.memory_space<hbm>> -> memref<1x4096xf32, #tpu.memory_space<hbm>>
    %dma_wait3A_41 = tpu.memref_squeeze %dma_wait3A_40 : memref<1x4096xf32, #tpu.memory_space<hbm>> -> memref<4096xf32, #tpu.memory_space<hbm>>
    tpu.wait_dma2 semaphore(%arg14 : memref<!tpu.dma_semaphore, #tpu.memory_space<semaphore_mem>>) src(%arg10 : memref<4096xf32, #tpu.memory_space<vmem>>) dst(%dma_wait3A_41 : memref<4096xf32, #tpu.memory_space<hbm>>)
    return
  }
}

</mosaic_0001>

<sc_bundles>
// kernel: kernel.3.cloned.1.call-start
scs
__scs_entry_jumppad:
0x0: {  	(pc) =	sbr.rel $0x88, $3  }
0x1: {  	(tag) =	ssettag $0x0;
	lr =	simm.s32 $0x1  }
0x2: {  	[smem:$0x3F9E] =	sst lr;
	_ =	strace $0xD0000000  }
0x3: {  	_ = 	snop  }
0x4: {  	_ = 	snop  }
0x5: {  	_ = 	snop  }
0x6: {  	_ = 	snop  }
0x7: {  	_ = 	snop  }
__scs_overlays_trampoline_lowered:
0x8: {  	[smem:$0x3FAD] =	sst s0  }
0x9: {  	[smem:$0x3FAE] =	sst s1  }
0xa: {  	[smem:$0x3FAF] =	sst s2  }
0xb: {  	[smem:$0x3FB0] =	sst s3  }
0xc: {  	[smem:$0x3FB1] =	sst s4  }
0xd: {  	[smem:$0x3FB2] =	sst s5  }
0xe: {  	[smem:$0x3FB3] =	sst s6  }
0xf: {  	[smem:$0x3FB4] =	sst s7  }
0x10: {  	[smem:$0x3FB5] =	sst s8  }
0x11: {  	[smem:$0x3FB6] =	sst s9;
	s0 =	simm.s32 @!p0 $0x0  }
0x12: {  	s1 =	sld [smem:$0x3F9C];
	s0 =	simm.s32 @p0 $0x1  }
0x13: {  	[smem:$0x3FB7] =	sst s0;
	s0 =	simm.s32 @!p1 $0x0  }
0x14: {  	s2 =	sld [smem:$0x3F9B];
	s0 =	simm.s32 @p1 $0x1  }
0x15: {  	[smem:$0x3FB8] =	sst s0;
	s0 =	simm.s32 @!p2 $0x0  }
0x16: {  	s3 =	sld [smem:$0x3FDB];
	s0 =	simm.s32 @p2 $0x1  }
0x17: {  	s4 =	simm.s32 $0x1BF5;
	[smem:$0x3FBA] =	sst s0  }
0x18: {  	s0 =	sld [smem:$0x3F9D];
	_ =	swait.ge [sflag:s4], $0x0  }
0x19: {  	s7 =	sld [smem:$0x3F9E]  }
0x1a: {  	s8 =	sadd.s32 $0xFFFFE003, lr  }
0x1b: {  	s9 =	sadd.s32 $0xFFFFFEF7, lr;
	s5 =	simm.s32 $0xFFFFFFFF;
	p2 =	slt.u32 s8, $0xFFFFF086  }
0x1c: {  	p1 =	slt.u32 s9, $0xF7A;
	s5 =	simm.s32 @!p2 $0x0  }
0x1d: {  	s5 =	simm.s32 @p1 $0x1;
	p0 =	seq.s32 s7, s2  }
0x1e: {  	s7 =	smul.u32 @!p0 $0xF7A, s2;
	p2 =	seq.s32 @!p0 s5, $0x0  }
0x1f: {  	s9 =	smul.u32 $0xF7A, s1;
	s8 =	simm.s32 @!p0 $0x1BF5;
	p2 =	por !p2, p0  }
0x20: {  	[sflag:s8] =	ssyncset.s32 @!p0 $0xFFFFF086;
	s6 =	sadd.s32 @!p0 s3, s7;
	s7 =	simm.s32 @!p0 $0x108  }
0x21: {  	s3 =	sadd.s32 s3, s9;
	s6 =	sadd.s32 @!p0 $0x88, s6;
	s7 =	simm.s32 @p2 $0x1082  }
0x22: {  	[simem:s7], [sflag:s8] =	dma.local @!p0 [hbm:s6], $0xF7A  }
0x23: {  	s9 =	sor.u32 $0xD0000000, s2;
	s6 =	simm.s32 $0x108;
	_ =	swait.ge @!p0 [sflag:s8], $0x0  }
0x24: {  	s3 =	sadd.s32 $0x88, s3;
	s6 =	simm.s32 @!p1 $0x1082;
	[sflag:s4] =	ssyncset.s32 $0xFFFFF086  }
0x25: {  	[simem:s6], [sflag:s4] =	dma.local [hbm:s3], $0xF7A  }
0x26: {  	[smem:$0x3F9E] =	sst s1;
	(tag) =	ssettag s2;
	_ =	strace s9  }
0x27: {  	s1 =	sld [smem:$0x3FAE]  }
0x28: {  	s2 =	sld [smem:$0x3FAF]  }
0x29: {  	s4 =	sld [smem:$0x3FB1]  }
0x2a: {  	p0 =	seq.s32 s5, $0x0;
	s5 =	sld [smem:$0x3FB2]  }
0x2b: {  	s6 =	sld [smem:$0x3FB3]  }
0x2c: {  	s7 =	sld [smem:$0x3FB4]  }
0x2d: {  	s3 =	simm.s32 $0x108;
	s8 =	sld [smem:$0x3FB5]  }
0x2e: {  	s3 =	simm.s32 @!p0 $0x1082;
	s9 =	sld [smem:$0x3FB6]  }
0x2f: {  	lr =	sadd.s32 s0, s3;
	s0 =	sld [smem:$0x3FAD]  }
0x30: {  	s3 =	sld [smem:$0x3FB0]  }
0x31: {  	[smem:$0x3FB9] =	sst s10  }
0x32: {  	s10 =	sld [smem:$0x3FB7];
	_ =	sdelay $0x3  }
0x33: {  	p0 =	seq.s32 s10, $0x1;
	s10 =	sld [smem:$0x3FB9];
	_ =	sdelay $0x3  }
0x34: {  	[smem:$0x3FB9] =	sst s10  }
0x35: {  	s10 =	sld [smem:$0x3FB8];
	_ =	sdelay $0x3  }
0x36: {  	p1 =	seq.s32 s10, $0x1;
	s10 =	sld [smem:$0x3FB9];
	_ =	sdelay $0x3  }
0x37: {  	[smem:$0x3FB9] =	sst s10  }
0x38: {  	s10 =	sld [smem:$0x3FBA]  }
0x39: {  	_ = 	snop;
	(pc) =	sbr.ind lr, $3  }
0x3a: {  	_ = 	snop  }
0x3b: {  	_ = 	snop  }
0x3c: {  	p2 =	seq.s32 s10, $0x1;
	s10 =	sld [smem:$0x3FB9]  }
0x3d: {  	_ =	shalt  }
0x3e: {  	_ =	shalt  }
0x3f: {  	_ =	shalt  }
0x40: {  	_ =	shalt  }
0x41: {  	_ =	shalt  }
0x42: {  	_ =	shalt  }
0x43: {  	_ =	shalt  }
0x44: {  	_ =	shalt  }
0x45: {  	_ =	shalt  }
0x46: {  	_ =	shalt  }
0x47: {  	_ =	shalt  }
0x48: {  	_ =	shalt  }
0x49: {  	_ =	shalt  }
0x4a: {  	_ =	shalt  }
0x4b: {  	_ =	shalt  }
0x4c: {  	_ =	shalt  }
0x4d: {  	_ =	shalt  }
0x4e: {  	_ =	shalt  }
0x4f: {  	_ =	shalt  }
0x50: {  	_ =	shalt  }
0x51: {  	_ =	shalt  }
0x52: {  	_ =	shalt  }
0x53: {  	_ =	shalt  }
0x54: {  	_ =	shalt  }
0x55: {  	_ =	shalt  }
0x56: {  	_ =	shalt  }
0x57: {  	_ =	shalt  }
0x58: {  	_ =	shalt  }
0x59: {  	_ =	shalt  }
0x5a: {  	_ =	shalt  }
0x5b: {  	_ =	shalt  }
0x5c: {  	_ =	shalt  }
0x5d: {  	_ =	shalt  }
0x5e: {  	_ =	shalt  }
0x5f: {  	_ =	shalt  }
0x60: {  	_ =	shalt  }
0x61: {  	_ =	shalt  }
0x62: {  	_ =	shalt  }
0x63: {  	_ =	shalt  }
0x64: {  	_ =	shalt  }
0x65: {  	_ =	shalt  }
0x66: {  	_ =	shalt  }
0x67: {  	_ =	shalt  }
0x68: {  	_ =	shalt  }
0x69: {  	_ =	shalt  }
0x6a: {  	_ =	shalt  }
0x6b: {  	_ =	shalt  }
0x6c: {  	_ =	shalt  }
0x6d: {  	_ =	shalt  }
0x6e: {  	_ =	shalt  }
0x6f: {  	_ =	shalt  }
0x70: {  	_ =	shalt  }
0x71: {  	_ =	shalt  }
0x72: {  	_ =	shalt  }
0x73: {  	_ =	shalt  }
0x74: {  	_ =	shalt  }
0x75: {  	_ =	shalt  }
0x76: {  	_ =	shalt  }
0x77: {  	_ =	shalt  }
0x78: {  	_ =	shalt  }
0x79: {  	_ =	shalt  }
0x7a: {  	_ =	shalt  }
0x7b: {  	_ =	shalt  }
0x7c: {  	_ =	shalt  }
0x7d: {  	_ =	shalt  }
0x7e: {  	_ =	shalt  }
0x7f: {  	_ =	shalt  }
0x80: {  	_ =	shalt  }
0x81: {  	_ =	shalt  }
0x82: {  	_ =	shalt  }
0x83: {  	_ =	shalt  }
0x84: {  	_ =	shalt  }
0x85: {  	_ =	shalt  }
0x86: {  	_ =	shalt  }
0x87: {  	_ =	shalt  }
.Lfunc_end0:
.L_simem_size_0:
called_computation_lowered:
.L_overlay_start_0:
0x88: {  	s2 =	sld [smem:$0x3FD9]  }
0x89: {  	s3 =	sld [smem:$0x3FFE];
	_ =	sdelay $0x1  }
0x8a: {  	s1 =	srdreg.scid  }
0x8b: {  	s0 =	sand.u32 $0x1, s1  }
0x8c: {  	s18 =	sshll.u32 s0, $0xA;
	s2 =	sadd.s32 s3, s2  }
0x8d: {  	s2 =	sadd.s32 s2, s18  }
0x8e: {  	[smem:$0x3FC5] =	sst s2  }
0x8f: {  	_ = 	snop  }
0x90: {  	s2 =	sld [smem:$0x3FC9]  }
0x91: {  	s19 =	sld [smem:$0x3FC8]  }
0x92: {  	s4 =	sld [smem:$0x3FC7]  }
0x93: {  	s5 =	sld [smem:$0x3FD0];
	(tm) =	ssettm $0x1  }
0x94: {  	s6 =	sld [smem:$0x3FFB];
	_ =	sdelay $0x3  }
0x95: {  	_ =	strace s6  }
0x96: {  	s6 =	sld [smem:$0x3FFC];
	_ =	sdelay $0x3  }
0x97: {  	_ =	strace s6  }
0x98: {  	s6 =	sld [smem:$0x3FFD];
	_ =	sdelay $0x3  }
0x99: {  	_ =	strace s6  }
0x9a: {  	_ =	strace $0x8FFFFFFF  }
0x9b: {  	s20 =	sld [smem:$0x3FDB];
	_ =	sdelay $0x1  }
0x9c: {  	s7 =	simm.s32 $_scs_section_size  }
0x9d: {  	s8 =	simm.s32 $_size__tile_overlayer_lowered;
	s9 =	simm.s32 $_tile_overlayer_lowered  }
0x9e: {  	s23 =	simm.s32 $0x1BFF;
	s22 =	sshll.u32 s9, $0x1;
	s6 =	sadd.s32 s7, s20  }
0x9f: {  	s10 =	simm.s32 $0x0;
	s21 =	sshll.u32 s8, $0x1;
	s8 =	sadd.s32 s22, s6  }
0xa0: {  	[timem:s10], [sflag:s23] =	dma.local [hbm:s8], s21  }
0xa1: {  	_ =	swait.ge [sflag:s23], s21  }
0xa2: {  	s7 =	ssub.s32 $0x0, s21;
	[sflag:s23] =	ssyncset.done $0x0  }
0xa3: {  	[sflag:s23] =	ssyncadd.s32 s7;
	_ =	sdelay $0x1  }
0xa4: {  	s24 =	simm.s32 $0x1B8B  }
0xa5: {  	_ =	swait.ge [sflag:s24], $0x1  }
0xa6: {  	[sflag:s24] =	ssyncset.done $0x0  }
0xa7: {  	s25 =	simm.s32 $0x1B8E;
	[sflag:s24] =	ssyncadd.s32 $0xFFFFFFFF  }
0xa8: {  	s26 =	simm.s32 $execute0_lowered;
	[smem:$0x3FD2] =	sst s25  }
0xa9: {  	s7 =	sshll.u32 s26, $0x1;
	_ =	strace $0x80000046;
	[dreg:$0x1] =	wrdreg $0xFFFFFFFF  }
0xaa: {  	s28 =	simm.s32 $_size_execute0_lowered;
	s6 =	sadd.s32 s6, s7;
	[dreg:$0x0] =	wrdreg $0x0  }
0xab: {  	s7 =	sshll.u32 s28, $0x1;
	[dreg:$0x2] =	wrdreg s6  }
0xac: {  	[dreg:$0x3] =	wrdreg s7  }
0xad: {  	[dreg:$0x4] =	wrdreg $0xC0  }
0xae: {  	_ =	task [dreg:s10], $0x5FFFF  }
0xaf: {  	[dreg:$0x1] =	wrdreg $0xFFFFFFFF  }
0xb0: {  	[dreg:$0x0] =	wrdreg $0x60  }
0xb1: {  	[dreg:$0x2] =	wrdreg s4  }
0xb2: {  	[dreg:$0x3] =	wrdreg s19  }
0xb3: {  	[dreg:$0x4] =	wrdreg s2  }
0xb4: {  	[dreg:$0x5] =	wrdreg s5  }
0xb5: {  	[dreg:$0x6] =	wrdreg $0x9  }
0xb6: {  	_ =	task.clear_ibuf [dreg:s10], $0x7FFFF;
	_ =	strace $0x90000046  }
0xb7: {  	s29 =	simm.s32 $0x9;
	_ =	strace $0x80000048  }
0xb8: {  	_ =	swait.ge [sflag:s29], $0x1  }
0xb9: {  	[sflag:s29] =	ssyncadd.s32 $0xFFFFFFFF  }
0xba: {  	_ =	strace $0x90000048  }
0xbb: {  	_ =	sfence  }
0xbc: {  	s30 =	sld [smem:$0x0];
	_ =	sdelay $0x2  }
0xbd: {  	s31 =	sshll.u32 s1, $0xD;
	s1 =	sshrl.u32 s1, $0x2  }
0xbe: {  	s3 =	sand.u32 $0x4000, s31;
	s1 =	sadd.s32 s1, s30  }
0xbf: {  	s0 =	sor.u32 s3, s0;
	s1 =	sshll.u32 s1, $0x11  }
0xc0: {  	s0 =	sor.u32 s1, s0  }
0xc1: {  	s0 =	sadd.s32 $0x8F2B, s0  }
0xc2: {  	[sflag:s0] =	ssyncadd.remote.s32 $0x1  }
0xc3: {  	_ =	sfence.sel $0xFFFF  }
0xc4: {  	[dreg:$0x0] =	wrdreg $0xFFFFFFFF;
	(pc) =	sbr.abs _section_cstart, $3  }
0xc5: {  	[dreg:$0x1] =	wrdreg $0xFFFFFFFF  }
0xc6: {  	_ =	task.clear_ibuf [dreg:s10], $0x2FFFF;
	_ =	strace $0x9FFFFFFF  }
0xc7: {  	(tm) =	ssettm $0x7FFFFFFF  }
tec
execute0_lowered:
.L_overlay_start_1:
0x0: {  	(tag) =	ssettag $0x1  }
0x1: {  	s1 =	rddreg [dreg:$0x0]  }
0x2: {  	s2 =	rddreg [dreg:$0x1]  }
0x3: {  	s6 =	rddreg [dreg:$0x2]  }
0x4: {  	s4 =	rddreg [dreg:$0x3];
	s5 =	simm.s32 $0x0;
	s7 =	srdreg.scid  }
0x5: {  	s3 =	stileid.u32;
	s14 =	simm.s32 $0x1;
	s15 =	simm.s32 $0x1000  }
0x6: {  	s16 =	simm.s32 $0x2000;
	s17 =	simm.s32 $0x5;
	s18 =	simm.s32 $0x1A700  }
0x7: {  	s19 =	simm.s32 $0x2;
	s20 =	simm.s32 $0x1B700;
	s21 =	simm.s32 $0x3  }
0x8: {  	s22 =	simm.s32 $0x4;
	s23 =	simm.s32 $0x0;
	[smem:$0x7FF] =	sst s5  }
0x9: {  	s7 =	sand.u32 $0x1, s7;
	s8 =	sshll.u32 s3, $0x1;
	s29 =	sshll.u32 s3, $0xA  }
0xa: {  	s30 =	sshrl.u32 s3, $0x2;
	s12 =	sor.u32 s7, s8;
	s7 =	ssub.s32 $0x2, s7  }
0xb: {  	_ =	strace $0x80000047;
	s9 =	sshll.u32 s12, $0x4;
	s10 =	sshrl.u32 s7, $0x1  }
0xc: {  	s11 =	sshll.u32 s12, $0x7;
	p0 =	sgt.u32 s12, $0xC;
	s8 =	sor.u32 s29, s9  }
0xd: {  	s9 =	smul.u32 $0xC3800, s30;
	s13 =	ssub.s32 s7, s10;
	s31 =	sand.u32 $0x380, s11  }
0xe: {  	s10 =	sadd.s32 $0xD, s12;
	s12 =	simm.s32 $0x80;
	s8 =	sand.u32 $0x3070, s8  }
0xf: {  	s11 =	smax.u32 s13, $0x1;
	s13 =	simm.s32 $0x400;
	s6 =	sadd.s32 s6, s8  }
0x10: {  	s7 =	sadd.s32 s4, s8;
	s8 =	sadd.s32 $0x10, s2;
	s9 =	sor.u32 s31, s9  }
.LBB2_1:
0x11: {  	s24 =	simm.s32 @!p0 $0x80  }
0x12: {  	s25 =	simm.s32 @!p0 $0x400;
	s26 =	simm.s32 @!p0 $0x1A700;
	s28 =	simm.s32 @!p0 $0x5  }
0x13: {  	[tilespmem:s26], [sflag:$0x5] =	stream.strided.gather @!p0 [hbm4b:s6+s24], $0x1000, s25, s24, $0x38;
	[tilespmem:$0x1C700] =	vst v63  }
0x14: {  	_ =	swait.ge @!p0 [sflag:s28], $0x1000  }
0x15: {  	[sflag:s28] =	ssyncset.done @!p0 $0x0  }
0x16: {  	[sflag:s28] =	ssyncadd.s32 @!p0 $0xFFFFF000  }
0x17: {  	[hbm4b:s7+s24] =	stream.strided.scatter @!p0 [tilespmem:s26], [sflag:$0x5], $0x1000, s25, s24, $0x38;
	[tilespmem:$0x1C700] =	vst v63  }
0x18: {  	_ =	swait.ge @!p0 [sflag:s28], $0x1000  }
0x19: {  	[sflag:s28] =	ssyncset.done @!p0 $0x0  }
0x1a: {  	[sflag:s28] =	ssyncadd.s32 @!p0 $0xFFFFF000  }
0x1b: {  	[tilespmem:s5], [sflag:$0x1] =	stream.strided.gather [hbm4b:s2+s12], $0x1000, s13, s12, $0x38;
	[tilespmem:$0x1C700] =	vst v63  }
0x1c: {  	_ =	swait.ge [sflag:s14], $0x1000  }
0x1d: {  	[sflag:s14] =	ssyncset.done $0x0  }
0x1e: {  	s24 =	simm.s32 $0x0;
	[sflag:s14] =	ssyncadd.s32 $0xFFFFF000  }
0x1f: {  	[tilespmem:s15], [sflag:$0x2] =	stream.strided.gather [hbm4b:s8+s12], $0x1000, s13, s12, $0x38;
	[tilespmem:$0x1C700] =	vst v63  }
.LBB2_2:
0x20: {  	s25 =	smul.u32 $0x61C000, s24;
	_ =	sdelay $0x1  }
0x21: {  	s25 =	sadd.s32 s9, s25  }
0x22: {  	s25 =	sshrl.u32 s25, $0x3  }
0x23: {  	s25 =	sadd.s32 s1, s25  }
0x24: {  	[tilespmem:s16], [sflag:$0x5] =	stream.strided.gather [hbm4b:s25+s12], $0x18700, s13, s12, $0x38;
	[tilespmem:$0x1C700] =	vst v63  }
0x25: {  	_ =	swait.ge [sflag:s17], $0x18700  }
0x26: {  	p2 =	seq.s32 s24, $0x0;
	[sflag:s17] =	ssyncset.done $0x0  }
0x27: {  	s25 =	simm.s32 @!p2 $0x1;
	[sflag:s17] =	ssyncadd.s32 $0xFFFE7900  }
0x28: {  	_ =	swait.ge @!p2 [sflag:s25], $0x1000  }
0x29: {  	[sflag:s25] =	ssyncset.done @!p2 $0x0  }
0x2a: {  	[sflag:s25] =	ssyncadd.s32 @!p2 $0xFFFFF000;
	s25 =	simm.s32 @!p2 $0x3  }
0x2b: {  	_ =	swait.ge @!p2 [sflag:s25], $0x1000  }
0x2c: {  	[sflag:s25] =	ssyncset.done @!p2 $0x0  }
0x2d: {  	s26 =	simm.s32 $0x0;
	[sflag:s25] =	ssyncadd.s32 @!p2 $0xFFFFF000  }
0x2e: {  	v0 =	vld [tilespmem:s26+$0x0];
	_ =	sdelay $0x5  }
0x2f: {  	v1 =	vld [tilespmem:s26+$0x10];
	_ =	sdelay $0x1  }
0x30: {  	v0 =	vld.idx.msk [tilespmem:v0+s16+$0x0], $0xffff;
	_ =	sdelay $0x4  }
0x31: {  	[tilespmem:s26+$0x1A700] =	vst v0;
	v0 =	vld [tilespmem:s26+$0x20]  }
0x32: {  	v1 =	vld.idx.msk [tilespmem:v1+s16+$0x0], $0xffff;
	_ =	sdelay $0x4  }
0x33: {  	[tilespmem:s26+$0x1A710] =	vst v1;
	v1 =	vld [tilespmem:s26+$0x30];
	_ =	sdelay $0x1  }
0x34: {  	v0 =	vld.idx.msk [tilespmem:v0+s16+$0x0], $0xffff;
	_ =	sdelay $0x4  }
0x35: {  	[tilespmem:s26+$0x1A720] =	vst v0;
	v0 =	vld [tilespmem:s26+$0x40]  }
0x36: {  	v1 =	vld.idx.msk [tilespmem:v1+s16+$0x0], $0xffff;
	_ =	sdelay $0x4  }
0x37: {  	[tilespmem:s26+$0x1A730] =	vst v1;
	v1 =	vld [tilespmem:s26+$0x50];
	_ =	sdelay $0x1  }
0x38: {  	v0 =	vld.idx.msk [tilespmem:v0+s16+$0x0], $0xffff;
	_ =	sdelay $0x4  }
0x39: {  	v2 =	vld [tilespmem:s26+$0x60];
	[tilespmem:s26+$0x1A740] =	vst v0  }
0x3a: {  	v0 =	vld.idx.msk [tilespmem:v1+s16+$0x0], $0xffff;
	_ =	sdelay $0x4  }
0x3b: {  	[tilespmem:s26+$0x1A750] =	vst v0;
	v0 =	vld [tilespmem:s26+$0x70];
	_ =	sdelay $0x1  }
0x3c: {  	v1 =	vld.idx.msk [tilespmem:v2+s16+$0x0], $0xffff;
	_ =	sdelay $0x3  }
0x3d: {  	s29 =	simm.s32 $0x80;
	s28 =	simm.s32 $0x400;
	s25 =	sshll.u32 s24, $0x1  }
.LBB2_3:
0x3e: {  	p1 =	sne.s32 s28, $0x3E00;
	v2 =	vld [tilespmem:s29+$0x0];
	[tilespmem:s26+$0x1A760] =	vst v1  }
0x3f: {  	v0 =	vld.idx.msk [tilespmem:v0+s16+$0x0], $0xffff;
	_ =	sdelay $0x5  }
0x40: {  	v1 =	vld [tilespmem:s29+$0x10];
	[tilespmem:s26+$0x1A770] =	vst v0;
	s26 =	smov.u32 s29  }
0x41: {  	v0 =	vld.idx.msk [tilespmem:v2+s16+$0x0], $0xffff;
	_ =	sdelay $0x5  }
0x42: {  	[tilespmem:s26+$0x1A700] =	vst v0;
	v0 =	vld [tilespmem:s26+$0x20]  }
0x43: {  	v1 =	vld.idx.msk [tilespmem:v1+s16+$0x0], $0xffff;
	_ =	sdelay $0x5  }
0x44: {  	[tilespmem:s26+$0x1A710] =	vst v1;
	v1 =	vld [tilespmem:s26+$0x30]  }
0x45: {  	v0 =	vld.idx.msk [tilespmem:v0+s16+$0x0], $0xffff;
	_ =	sdelay $0x5  }
0x46: {  	[tilespmem:s26+$0x1A720] =	vst v0;
	v0 =	vld [tilespmem:s26+$0x40]  }
0x47: {  	v1 =	vld.idx.msk [tilespmem:v1+s16+$0x0], $0xffff;
	_ =	sdelay $0x5  }
0x48: {  	[tilespmem:s26+$0x1A730] =	vst v1;
	v1 =	vld [tilespmem:s26+$0x50]  }
0x49: {  	v0 =	vld.idx.msk [tilespmem:v0+s16+$0x0], $0xffff;
	_ =	sdelay $0x5  }
0x4a: {  	[tilespmem:s26+$0x1A740] =	vst v0;
	v2 =	vld [tilespmem:s26+$0x60]  }
0x4b: {  	v0 =	vld.idx.msk [tilespmem:v1+s16+$0x0], $0xffff;
	_ =	sdelay $0x5  }
0x4c: {  	[tilespmem:s26+$0x1A750] =	vst v0;
	v0 =	vld [tilespmem:s26+$0x70]  }
0x4d: {  	v1 =	vld.idx.msk [tilespmem:v2+s16+$0x0], $0xffff  }
.Ltmp0:
0x4e: {  	(pc) =	sbr.rel @p1 .LBB2_3-.Ltmp0, $2  }
0x4f: {  	_ =	sdelay $0x2  }
0x50: {  	s29 =	sshra.s32 s28, $0x2;
	s28 =	sadd.s32 $0x200, s28  }
0x51: {  	_ =	sdelay $0x1  }
0x52: {  	v2 =	vld [tilespmem:s29+$0x0]  }
0x53: {  	[tilespmem:s26+$0x1A760] =	vst v1  }
0x54: {  	v0 =	vld.idx.msk [tilespmem:v0+s16+$0x0], $0xffff;
	_ =	sdelay $0x3  }
0x55: {  	v1 =	vld [tilespmem:s29+$0x10]  }
0x56: {  	[tilespmem:s26+$0x1A770] =	vst v0  }
0x57: {  	v0 =	vld.idx.msk [tilespmem:v2+s16+$0x0], $0xffff;
	_ =	sdelay $0x4  }
0x58: {  	[tilespmem:s29+$0x1A700] =	vst v0;
	v0 =	vld [tilespmem:s29+$0x20]  }
0x59: {  	v1 =	vld.idx.msk [tilespmem:v1+s16+$0x0], $0xffff;
	_ =	sdelay $0x4  }
0x5a: {  	[tilespmem:s29+$0x1A710] =	vst v1;
	v1 =	vld [tilespmem:s29+$0x30];
	_ =	sdelay $0x1  }
0x5b: {  	v0 =	vld.idx.msk [tilespmem:v0+s16+$0x0], $0xffff;
	_ =	sdelay $0x4  }
0x5c: {  	[tilespmem:s29+$0x1A720] =	vst v0;
	v0 =	vld [tilespmem:s29+$0x40]  }
0x5d: {  	v1 =	vld.idx.msk [tilespmem:v1+s16+$0x0], $0xffff;
	_ =	sdelay $0x4  }
0x5e: {  	[tilespmem:s29+$0x1A730] =	vst v1;
	v1 =	vld [tilespmem:s29+$0x50];
	_ =	sdelay $0x1  }
0x5f: {  	v0 =	vld.idx.msk [tilespmem:v0+s16+$0x0], $0xffff;
	_ =	sdelay $0x4  }
0x60: {  	[tilespmem:s29+$0x1A740] =	vst v0;
	v0 =	vld [tilespmem:s29+$0x60]  }
0x61: {  	v1 =	vld.idx.msk [tilespmem:v1+s16+$0x0], $0xffff;
	_ =	sdelay $0x4  }
0x62: {  	[tilespmem:s29+$0x1A750] =	vst v1;
	v1 =	vld [tilespmem:s29+$0x70];
	_ =	sdelay $0x1  }
0x63: {  	v0 =	vld.idx.msk [tilespmem:v0+s16+$0x0], $0xffff;
	_ =	sdelay $0x4  }
0x64: {  	[tilespmem:s29+$0x1A760] =	vst v0  }
0x65: {  	v0 =	vld.idx.msk [tilespmem:v1+s16+$0x0], $0xffff;
	_ =	sdelay $0x1  }
0x66: {  	s31 =	sshll.u32 s10, $0x9;
	s28 =	sshll.u32 s24, $0xF;
	s30 =	sshll.u32 s10, $0x4  }
0x67: {  	s26 =	sor.u32 s31, s28;
	s28 =	sand.u32 $0x70, s30  }
0x68: {  	s26 =	sand.u32 $0x7F000, s26;
	s28 =	sadd.s32 s4, s28  }
0x69: {  	p1 =	seq.s32 s24, $0xC;
	s26 =	sadd.s32 s26, s28;
	[tilespmem:s29+$0x1A770] =	vst v0  }
0x6a: {  	[hbm4b:s26+s12] =	stream.strided.scatter [tilespmem:s18], [sflag:$0x3], $0x1000, s13, s12, $0x38;
	[tilespmem:$0x1C700] =	vst v63  }
0x6b: {  	s26 =	sadd.s32 @!p1 $0x2, s25  }
0x6c: {  	s28 =	sshll.u32 @!p1 s26, $0x4  }
0x6d: {  	s26 =	sshll.u32 @!p1 s26, $0x9;
	s28 =	sand.u32 @!p1 $0x60, s28  }
0x6e: {  	s26 =	sand.u32 @!p1 $0x7000, s26;
	s28 =	sadd.s32 @!p1 s2, s28  }
0x6f: {  	s30 =	simm.s32 @!p1 $0x400;
	s28 =	sadd.s32 @!p1 s26, s28;
	s26 =	sor.u32 $0x1, s25  }
0x70: {  	s31 =	simm.s32 @!p1 $0x0;
	s29 =	simm.s32 @!p1 $0x80;
	s0 =	smul.u32 $0x30E000, s26  }
0x71: {  	[tilespmem:s31], [sflag:$0x1] =	stream.strided.gather @!p1 [hbm4b:s28+s29], $0x1000, s30, s29, $0x38;
	[tilespmem:$0x1C700] =	vst v63  }
0x72: {  	s0 =	sadd.s32 s9, s0  }
0x73: {  	s0 =	sshrl.u32 s0, $0x3  }
0x74: {  	s0 =	sadd.s32 s1, s0  }
0x75: {  	[tilespmem:s16], [sflag:$0x5] =	stream.strided.gather [hbm4b:s0+s12], $0x18700, s13, s12, $0x38;
	[tilespmem:$0x1C700] =	vst v63  }
0x76: {  	_ =	swait.ge [sflag:s17], $0x18700  }
0x77: {  	[sflag:s17] =	ssyncset.done $0x0  }
0x78: {  	[sflag:s17] =	ssyncadd.s32 $0xFFFE7900  }
0x79: {  	_ =	swait.ge [sflag:s19], $0x1000  }
0x7a: {  	[sflag:s19] =	ssyncset.done $0x0  }
0x7b: {  	s0 =	simm.s32 @!p2 $0x4;
	[sflag:s19] =	ssyncadd.s32 $0xFFFFF000  }
0x7c: {  	_ =	swait.ge @!p2 [sflag:s0], $0x1000  }
0x7d: {  	[sflag:s0] =	ssyncset.done @!p2 $0x0  }
0x7e: {  	s28 =	simm.s32 $0x0;
	[sflag:s0] =	ssyncadd.s32 @!p2 $0xFFFFF000  }
0x7f: {  	v0 =	vld [tilespmem:s28+$0x1000];
	_ =	sdelay $0x5  }
0x80: {  	v1 =	vld [tilespmem:s28+$0x1010];
	_ =	sdelay $0x1  }
0x81: {  	v0 =	vld.idx.msk [tilespmem:v0+s16+$0x0], $0xffff;
	_ =	sdelay $0x4  }
0x82: {  	[tilespmem:s28+$0x1B700] =	vst v0;
	v0 =	vld [tilespmem:s28+$0x1020]  }
0x83: {  	v1 =	vld.idx.msk [tilespmem:v1+s16+$0x0], $0xffff;
	_ =	sdelay $0x4  }
0x84: {  	[tilespmem:s28+$0x1B710] =	vst v1;
	v1 =	vld [tilespmem:s28+$0x1030];
	_ =	sdelay $0x1  }
0x85: {  	v0 =	vld.idx.msk [tilespmem:v0+s16+$0x0], $0xffff;
	_ =	sdelay $0x4  }
0x86: {  	[tilespmem:s28+$0x1B720] =	vst v0;
	v0 =	vld [tilespmem:s28+$0x1040]  }
0x87: {  	v1 =	vld.idx.msk [tilespmem:v1+s16+$0x0], $0xffff;
	_ =	sdelay $0x4  }
0x88: {  	[tilespmem:s28+$0x1B730] =	vst v1;
	v1 =	vld [tilespmem:s28+$0x1050];
	_ =	sdelay $0x1  }
0x89: {  	v0 =	vld.idx.msk [tilespmem:v0+s16+$0x0], $0xffff;
	_ =	sdelay $0x4  }
0x8a: {  	v2 =	vld [tilespmem:s28+$0x1060];
	[tilespmem:s28+$0x1B740] =	vst v0  }
0x8b: {  	v0 =	vld.idx.msk [tilespmem:v1+s16+$0x0], $0xffff;
	_ =	sdelay $0x4  }
0x8c: {  	[tilespmem:s28+$0x1B750] =	vst v0;
	v0 =	vld [tilespmem:s28+$0x1070];
	_ =	sdelay $0x1  }
0x8d: {  	v1 =	vld.idx.msk [tilespmem:v2+s16+$0x0], $0xffff;
	_ =	sdelay $0x3  }
0x8e: {  	s24 =	sadd.s32 $0x1, s24;
	s30 =	simm.s32 $0x80;
	s29 =	simm.s32 $0x400  }
.LBB2_5:
0x8f: {  	p2 =	sne.s32 s29, $0x3E00;
	v2 =	vld [tilespmem:s30+$0x1000];
	[tilespmem:s28+$0x1B760] =	vst v1  }
0x90: {  	v0 =	vld.idx.msk [tilespmem:v0+s16+$0x0], $0xffff;
	_ =	sdelay $0x5  }
0x91: {  	v1 =	vld [tilespmem:s30+$0x1010];
	[tilespmem:s28+$0x1B770] =	vst v0;
	s28 =	smov.u32 s30  }
0x92: {  	v0 =	vld.idx.msk [tilespmem:v2+s16+$0x0], $0xffff;
	_ =	sdelay $0x5  }
0x93: {  	[tilespmem:s28+$0x1B700] =	vst v0;
	v0 =	vld [tilespmem:s28+$0x1020]  }
0x94: {  	v1 =	vld.idx.msk [tilespmem:v1+s16+$0x0], $0xffff;
	_ =	sdelay $0x5  }
0x95: {  	[tilespmem:s28+$0x1B710] =	vst v1;
	v1 =	vld [tilespmem:s28+$0x1030]  }
0x96: {  	v0 =	vld.idx.msk [tilespmem:v0+s16+$0x0], $0xffff;
	_ =	sdelay $0x5  }
0x97: {  	[tilespmem:s28+$0x1B720] =	vst v0;
	v0 =	vld [tilespmem:s28+$0x1040]  }
0x98: {  	v1 =	vld.idx.msk [tilespmem:v1+s16+$0x0], $0xffff;
	_ =	sdelay $0x5  }
0x99: {  	[tilespmem:s28+$0x1B730] =	vst v1;
	v1 =	vld [tilespmem:s28+$0x1050]  }
0x9a: {  	v0 =	vld.idx.msk [tilespmem:v0+s16+$0x0], $0xffff;
	_ =	sdelay $0x5  }
0x9b: {  	[tilespmem:s28+$0x1B740] =	vst v0;
	v2 =	vld [tilespmem:s28+$0x1060]  }
0x9c: {  	v0 =	vld.idx.msk [tilespmem:v1+s16+$0x0], $0xffff;
	_ =	sdelay $0x5  }
0x9d: {  	[tilespmem:s28+$0x1B750] =	vst v0;
	v0 =	vld [tilespmem:s28+$0x1070]  }
0x9e: {  	v1 =	vld.idx.msk [tilespmem:v2+s16+$0x0], $0xffff  }
.Ltmp1:
0x9f: {  	(pc) =	sbr.rel @p2 .LBB2_5-.Ltmp1, $2  }
0xa0: {  	_ =	sdelay $0x2  }
0xa1: {  	s30 =	sshra.s32 s29, $0x2;
	s29 =	sadd.s32 $0x200, s29  }
0xa2: {  	_ =	sdelay $0x1  }
0xa3: {  	v2 =	vld [tilespmem:s30+$0x1000]  }
0xa4: {  	[tilespmem:s28+$0x1B760] =	vst v1  }
0xa5: {  	v0 =	vld.idx.msk [tilespmem:v0+s16+$0x0], $0xffff;
	_ =	sdelay $0x3  }
0xa6: {  	v1 =	vld [tilespmem:s30+$0x1010]  }
0xa7: {  	[tilespmem:s28+$0x1B770] =	vst v0  }
0xa8: {  	v0 =	vld.idx.msk [tilespmem:v2+s16+$0x0], $0xffff;
	_ =	sdelay $0x3  }
0xa9: {  	v58 =	vld [tilespmem:s30+$0x1020]  }
0xaa: {  	[tilespmem:s30+$0x1B700] =	vst v0  }
0xab: {  	v1 =	vld.idx.msk [tilespmem:v1+s16+$0x0], $0xffff;
	_ =	sdelay $0x3  }
0xac: {  	v59 =	vld [tilespmem:s30+$0x1030]  }
0xad: {  	[tilespmem:s30+$0x1B710] =	vst v1  }
0xae: {  	v0 =	vld.idx.msk [tilespmem:v58+s16+$0x0], $0xffff;
	_ =	sdelay $0x3  }
0xaf: {  	v60 =	vld [tilespmem:s30+$0x1040]  }
0xb0: {  	[tilespmem:s30+$0x1B720] =	vst v0  }
0xb1: {  	v1 =	vld.idx.msk [tilespmem:v59+s16+$0x0], $0xffff;
	_ =	sdelay $0x3  }
0xb2: {  	v61 =	vld [tilespmem:s30+$0x1050]  }
0xb3: {  	[tilespmem:s30+$0x1B730] =	vst v1  }
0xb4: {  	v0 =	vld.idx.msk [tilespmem:v60+s16+$0x0], $0xffff;
	_ =	sdelay $0x3  }
0xb5: {  	v62 =	vld [tilespmem:s30+$0x1060]  }
0xb6: {  	[tilespmem:s30+$0x1B740] =	vst v0  }
0xb7: {  	v1 =	vld.idx.msk [tilespmem:v61+s16+$0x0], $0xffff;
	_ =	sdelay $0x3  }
0xb8: {  	v63 =	vld [tilespmem:s30+$0x1070]  }
0xb9: {  	[tilespmem:s30+$0x1B750] =	vst v1  }
0xba: {  	v0 =	vld.idx.msk [tilespmem:v62+s16+$0x0], $0xffff;
	_ =	sdelay $0x4  }
0xbb: {  	[tilespmem:s30+$0x1B760] =	vst v0  }
0xbc: {  	s0 =	sshll.u32 s26, $0x5;
	v0 =	vld.idx.msk [tilespmem:v63+s16+$0x0], $0xffff  }
0xbd: {  	s0 =	sadd.s32 s0, s10  }
0xbe: {  	s31 =	sshll.u32 s0, $0x4  }
0xbf: {  	s0 =	sshll.u32 s0, $0x9;
	s26 =	sand.u32 $0x70, s31  }
0xc0: {  	s0 =	sand.u32 $0xFFFF000, s0;
	s26 =	sadd.s32 s4, s26  }
0xc1: {  	s0 =	sadd.s32 s0, s26;
	[tilespmem:s30+$0x1B770] =	vst v0  }
0xc2: {  	[hbm4b:s0+s12] =	stream.strided.scatter [tilespmem:s20], [sflag:$0x4], $0x1000, s13, s12, $0x38;
	[tilespmem:$0x1C700] =	vst v63  }
0xc3: {  	s0 =	sadd.s32 @!p1 $0x3, s25  }
0xc4: {  	s25 =	sshll.u32 @!p1 s0, $0x4  }
0xc5: {  	p2 =	sne.s32 @!p1 s24, $0xD;
	s0 =	sshll.u32 @!p1 s0, $0x9;
	s25 =	sand.u32 @!p1 $0x70, s25  }
0xc6: {  	s26 =	simm.s32 @!p1 $0x400;
	s0 =	sand.u32 @!p1 $0x7000, s0;
	s25 =	sadd.s32 @!p1 s2, s25  }
0xc7: {  	s28 =	simm.s32 @!p1 $0x1000;
	s0 =	sadd.s32 @!p1 s0, s25;
	s25 =	simm.s32 @!p1 $0x80  }
0xc8: {  	[tilespmem:s28], [sflag:$0x2] =	stream.strided.gather @!p1 [hbm4b:s0+s25], $0x1000, s26, s25, $0x38;
	[tilespmem:$0x1C700] =	vst v63  }
0xc9: {  	p1 =	por p1, !p2  }
.Ltmp2:
0xca: {  	_ = 	snop;
	(pc) =	sbr.rel @!p1 .LBB2_2-.Ltmp2, $1  }
0xcb: {  	_ =	sdelay $0x3  }
0xcc: {  	s23 =	sadd.s32 $0x1, s23  }
0xcd: {  	_ =	swait.ge [sflag:s21], $0x1000;
	p1 =	sne.s32 s23, s11  }
.Ltmp3:
0xce: {  	[sflag:s21] =	ssyncset.done $0x0;
	(pc) =	sbr.rel @p1 .LBB2_1-.Ltmp3, $4  }
0xcf: {  	[sflag:s21] =	ssyncadd.s32 $0xFFFFF000  }
0xd0: {  	_ =	swait.ge [sflag:s22], $0x1000  }
0xd1: {  	[sflag:s22] =	ssyncset.done $0x0  }
0xd2: {  	[sflag:s22] =	ssyncadd.s32 $0xFFFFF000  }
0xd3: {  	_ =	sfence.sel $0x180000  }
0xd4: {  	[bflag:$0x0] =	sbarrier.arrive $0xFFFF  }
0xd5: {  	_ =	strace $0x90000047  }
0xd6: {  	[bflag:$0x2] =	sbarrier.arrive $0xFFFF  }
0xd7: {  	p0 =	sne.s32 s3, $0x0;
	s0 =	rddreg [dreg:$0x4]  }
0xd8: {  	s0 =	sadd.s32 @!p0 $0x100000, s0  }
0xd9: {  	[sflag:s0] =	ssyncadd.tile.s32 @!p0 $0x1;
	_ =	shalt  }
.Lfunc_end2:
_tile_overlayer_lowered:
.L_overlay_start_2:
0xda: {  	(tag) =	ssettag $0x2  }
0xdb: {  	s0 =	rddreg [dreg:$0x0];
	s2 =	stileid.u32  }
0xdc: {  	s1 =	rddreg [dreg:$0x1];
	p0 =	sne.s32 s2, $0x0  }
0xdd: {  	s3 =	rddreg [dreg:$0x2];
	[bflag:$0x3] =	sbarrier.arrive $0xFFFF;
	s2 =	simm.s32 @!p0 $0x1C05  }
0xde: {  	[timem:s3], [sflag:s2] =	dma.local @!p0 [hbm:s0], s1  }
0xdf: {  	s0 =	simm.s32 @!p0 $0x5  }
0xe0: {  	_ =	swait.ge @!p0 [sflag:s0], s1  }
0xe1: {  	s1 =	ssub.s32 @!p0 $0x0, s1;
	[sflag:s0] =	ssyncset.done @!p0 $0x0  }
0xe2: {  	[sflag:s0] =	ssyncadd.s32 @!p0 s1  }
0xe3: {  	[bflag:$0x3] =	sbarrier.arrive $0xFFFF  }
0xe4: {  	_ =	shalt  }

</sc_bundles>
